<compile_context>
chip_gen: v7x
topology: tpu7x:2x2x1
jax: 0.10.2.dev20260603
libtpu: 0.0.44.dev20260713+nightly
codegen_flags: <defaults>
</compile_context>

<pallas_src>
import jax
import jax.numpy as jnp
from jax import lax
from jax.experimental import pallas as pl
from jax.experimental.pallas import tpu as pltpu
from jax.experimental.pallas import tpu_sc as plsc

VOCAB = 100000
D = 768
B = 4
S = 2048
N = B * S

NC, NS = 2, 16
NW = NC * NS
PER_W = N // NW
W_PER_B = S // PER_W
CHUNK = 64
NCHUNK = PER_W // CHUNK
NBUF = 2


def _gather_body(ids_hbm, mask_hbm, pos_hbm, lab_hbm, table_hbm,
                 out_hbm, omask_hbm, opos_hbm, olab_hbm,
                 idx_v, rows0, rows1, gs0, gs1, ss0, ss1, psem):
    rows = (rows0, rows1)
    gsem = (gs0, gs1)
    ssem = (ss0, ss1)

    wid = lax.axis_index("s") * NC + lax.axis_index("c")
    b = wid // W_PER_B
    col = (wid % W_PER_B) * PER_W

    pairs = ((mask_hbm, omask_hbm), (pos_hbm, opos_hbm), (lab_hbm, olab_hbm))
    arr = wid // B
    row = wid % B

    @pl.when(wid < 3 * B)
    def _start_passthrough():
        for a, (src, dst) in enumerate(pairs):
            @pl.when(arr == a)
            def _():
                pltpu.async_copy(src.at[row], dst.at[row], psem)

    pltpu.sync_copy(ids_hbm.at[b, pl.ds(col, PER_W)], idx_v)

    gathers = [None] * NBUF
    scatters = [None] * NBUF
    for j in range(NCHUNK):
        r = j % NBUF
        if scatters[r] is not None:
            scatters[r].wait()
        gathers[r] = pltpu.async_copy(
            table_hbm.at[idx_v.at[pl.ds(j * CHUNK, CHUNK)]], rows[r],
            gsem[r])
        if j > 0:
            p = (j - 1) % NBUF
            gathers[p].wait()
            scatters[p] = pltpu.async_copy(
                rows[p], out_hbm.at[b, pl.ds(col + (j - 1) * CHUNK, CHUNK)],
                ssem[p])
    last = (NCHUNK - 1) % NBUF
    gathers[last].wait()
    scatters[last] = pltpu.async_copy(
        rows[last], out_hbm.at[b, pl.ds(col + (NCHUNK - 1) * CHUNK, CHUNK)],
        ssem[last])
    for j in range(max(0, NCHUNK - NBUF + 1), NCHUNK):
        scatters[j % NBUF].wait()

    @pl.when(wid < 3 * B)
    def _drain_passthrough():
        pltpu.make_async_copy(mask_hbm.at[0], omask_hbm.at[0], psem).wait()


@jax.jit
def _embed_lookup(input_ids, attention_mask, position_ids, labels,
                  embedding_table):
    mesh = plsc.VectorSubcoreMesh(core_axis_name="c", subcore_axis_name="s")
    k = pl.kernel(
        _gather_body,
        out_type=(
            jax.ShapeDtypeStruct((B, S, D), jnp.float32),
            jax.ShapeDtypeStruct((B, S), jnp.int32),
            jax.ShapeDtypeStruct((B, S), jnp.int32),
            jax.ShapeDtypeStruct((B, S), jnp.int32),
        ),
        mesh=mesh,
        scratch_types=(
            [pltpu.VMEM((PER_W,), jnp.int32)]
            + [pltpu.VMEM((CHUNK, D), jnp.float32) for _ in range(NBUF)]
            + [pltpu.SemaphoreType.DMA] * 5
        ),
    )
    return k(input_ids, attention_mask, position_ids, labels,
             embedding_table)


def kernel(input_ids, attention_mask, position_ids, labels, embedding_table):
    return _embed_lookup(input_ids, attention_mask, position_ids, labels,
                         embedding_table)

# --- scband reference (transcript-rebuilt; emitter-appended) ---
"""Pipeline reference for scband-embedding-pipe-49727131353460 (READ-ONLY COPY).

The authoritative reference and input builder live on the scoring server;
editing this copy changes nothing except your own understanding.
"""

import jax, jax.numpy as jnp
import numpy as np

VOCAB = 100000
D_MODEL = 768
B = 4
S = 2048

def setup_inputs(seed: int = 0) -> dict:
    key = jax.random.key(seed)
    k1, k2, k3 = jax.random.split(key, 3)
    input_ids = jax.random.randint(k1, (B, S), 0, VOCAB, dtype=jnp.int32)
    attention_mask = jnp.ones((B, S), dtype=jnp.int32)  # flash_attention_2 path: 2D mask, passed through
    position_ids = jnp.broadcast_to(jnp.arange(S, dtype=jnp.int32), (B, S))
    labels = jax.random.randint(k2, (B, S), 0, VOCAB, dtype=jnp.int32)
    embedding_table = jax.random.normal(k3, (VOCAB, D_MODEL), dtype=jnp.float32) * 0.02
    return {
        "input_ids": input_ids,
        "attention_mask": attention_mask,
        "position_ids": position_ids,
        "labels": labels,
        "embedding_table": embedding_table,
    }

def reference(input_ids, attention_mask, position_ids, labels, embedding_table):
    # EmbeddingPipe.forward with attn_implementation='flash_attention_2':
    # inputs_embeds = self.orig(input_ids)  -> embedding gather
    # mask is asserted 2D and passed through unchanged; no 4D causal mask prep.
    hidden_states = jnp.take(embedding_table, input_ids, axis=0)
    # requires_grad_ / device moves are no-ops numerically.
    return (hidden_states, attention_mask, position_ids, labels)

if __name__ == "__main__":
    import jax
    _d = setup_inputs()
    print(jax.jit(kernel)(*tuple(_d.values())))

</pallas_src>

<mosaic_0001>
#map = affine_map<(d0, d1) -> (0, 0)>
#map1 = affine_map<(d0, d1) -> (0, 0, 0)>
module attributes {stable_mosaic.version = 14 : i64} {
  func.func @_gather_body(%arg0: i32, %arg1: i32, %arg2: memref<4x2048xi32, #tpu.memory_space<hbm>>, %arg3: memref<4x2048xi32, #tpu.memory_space<hbm>>, %arg4: memref<4x2048xi32, #tpu.memory_space<hbm>>, %arg5: memref<4x2048xi32, #tpu.memory_space<hbm>>, %arg6: memref<100000x768xf32, #tpu.memory_space<hbm>>, %arg7: memref<4x2048x768xf32, #tpu.memory_space<hbm>>, %arg8: memref<4x2048xi32, #tpu.memory_space<hbm>>, %arg9: memref<4x2048xi32, #tpu.memory_space<hbm>>, %arg10: memref<4x2048xi32, #tpu.memory_space<hbm>>, %arg11: memref<256xi32, #tpu.memory_space<vmem>>, %arg12: memref<64x768xf32, #tpu.memory_space<vmem>>, %arg13: memref<64x768xf32, #tpu.memory_space<vmem>>, %arg14: memref<!tpu.dma_semaphore, #tpu.memory_space<semaphore_mem>>, %arg15: memref<!tpu.dma_semaphore, #tpu.memory_space<semaphore_mem>>, %arg16: memref<!tpu.dma_semaphore, #tpu.memory_space<semaphore_mem>>, %arg17: memref<!tpu.dma_semaphore, #tpu.memory_space<semaphore_mem>>, %arg18: memref<!tpu.dma_semaphore, #tpu.memory_space<semaphore_mem>>) attributes {dimension_semantics = [#tpu.dimension_semantics<core_parallel>, #tpu.dimension_semantics<subcore_parallel>], iteration_bounds = array<i64: 2, 16>, scalar_prefetch = 0 : i64, scratch_operands = 8 : i64, tpu.core_type = #tpu.core_type<sc_vector_subcore>, window_params = [{transform_indices = #map}, {transform_indices = #map}, {transform_indices = #map}, {transform_indices = #map}, {transform_indices = #map}, {transform_indices = #map1}, {transform_indices = #map}, {transform_indices = #map}, {transform_indices = #map}]} {
    %mul3A = arith.constant 2 : i32
    %mul3A_0 = arith.muli %arg1, %mul3A : i32
    %add3A = arith.addi %mul3A_0, %arg0 : i32
    %jit3A = arith.constant 8 : i32
    %div3A = arith.divsi %add3A, %jit3A : i32
    %sign3A = arith.constant 0 : i32
    %sign3A_1 = arith.cmpi sgt, %add3A, %sign3A : i32
    %sign3A_2 = arith.extui %sign3A_1 : i1 to i32
    %sign3A_3 = arith.constant 0 : i32
    %sign3A_4 = arith.cmpi slt, %add3A, %sign3A_3 : i32
    %sign3A_5 = arith.extui %sign3A_4 : i1 to i32
    %sign3A_6 = arith.subi %sign3A_2, %sign3A_5 : i32
    %sign3A_7 = arith.constant 0 : i32
    %sign3A_8 = arith.cmpi sgt, %jit3A, %sign3A_7 : i32
    %sign3A_9 = arith.extui %sign3A_8 : i1 to i32
    %sign3A_10 = arith.constant 0 : i32
    %sign3A_11 = arith.cmpi slt, %jit3A, %sign3A_10 : i32
    %sign3A_12 = arith.extui %sign3A_11 : i1 to i32
    %sign3A_13 = arith.subi %sign3A_9, %sign3A_12 : i32
    %ne3A = arith.cmpi ne, %sign3A_6, %sign3A_13 : i32
    %rem3A = arith.remsi %add3A, %jit3A : i32
    %ne3A_14 = arith.constant 0 : i32
    %ne3A_15 = arith.cmpi ne, %rem3A, %ne3A_14 : i32
    %and3A = arith.andi %ne3A, %ne3A_15 : i1
    %sub3A = arith.constant 1 : i32
    %sub3A_16 = arith.subi %div3A, %sub3A : i32
    %select_n3A = arith.select %and3A, %sub3A_16, %div3A : i32
    %jit3A_17 = arith.constant 8 : i32
    %eq3A = arith.constant 0 : i32
    %eq3A_18 = arith.cmpi eq, %jit3A_17, %eq3A : i32
    %jit3A_19 = arith.constant 1 : i32
    %select_n3A_20 = arith.select %eq3A_18, %jit3A_19, %jit3A_17 : i32
    %rem3A_21 = arith.remsi %add3A, %select_n3A_20 : i32
    %ne3A_22 = arith.constant 0 : i32
    %ne3A_23 = arith.cmpi ne, %rem3A_21, %ne3A_22 : i32
    %lt3A = arith.constant 0 : i32
    %lt3A_24 = arith.cmpi slt, %rem3A_21, %lt3A : i32
    %lt3A_25 = arith.constant 0 : i32
    %lt3A_26 = arith.cmpi slt, %select_n3A_20, %lt3A_25 : i32
    %ne3A_27 = arith.xori %lt3A_24, %lt3A_26 : i1
    %and3A_28 = arith.andi %ne3A_27, %ne3A_23 : i1
    %add3A_29 = arith.addi %rem3A_21, %select_n3A_20 : i32
    %select_n3A_30 = arith.select %and3A_28, %add3A_29, %rem3A_21 : i32
    %mul3A_31 = arith.constant 256 : i32
    %mul3A_32 = arith.muli %select_n3A_30, %mul3A_31 : i32
    %jit3A_33 = arith.constant 4 : i32
    %div3A_34 = arith.divsi %add3A, %jit3A_33 : i32
    %sign3A_35 = arith.constant 0 : i32
    %sign3A_36 = arith.cmpi sgt, %add3A, %sign3A_35 : i32
    %sign3A_37 = arith.extui %sign3A_36 : i1 to i32
    %sign3A_38 = arith.constant 0 : i32
    %sign3A_39 = arith.cmpi slt, %add3A, %sign3A_38 : i32
    %sign3A_40 = arith.extui %sign3A_39 : i1 to i32
    %sign3A_41 = arith.subi %sign3A_37, %sign3A_40 : i32
    %sign3A_42 = arith.constant 0 : i32
    %sign3A_43 = arith.cmpi sgt, %jit3A_33, %sign3A_42 : i32
    %sign3A_44 = arith.extui %sign3A_43 : i1 to i32
    %sign3A_45 = arith.constant 0 : i32
    %sign3A_46 = arith.cmpi slt, %jit3A_33, %sign3A_45 : i32
    %sign3A_47 = arith.extui %sign3A_46 : i1 to i32
    %sign3A_48 = arith.subi %sign3A_44, %sign3A_47 : i32
    %ne3A_49 = arith.cmpi ne, %sign3A_41, %sign3A_48 : i32
    %rem3A_50 = arith.remsi %add3A, %jit3A_33 : i32
    %ne3A_51 = arith.constant 0 : i32
    %ne3A_52 = arith.cmpi ne, %rem3A_50, %ne3A_51 : i32
    %and3A_53 = arith.andi %ne3A_49, %ne3A_52 : i1
    %sub3A_54 = arith.constant 1 : i32
    %sub3A_55 = arith.subi %div3A_34, %sub3A_54 : i32
    %select_n3A_56 = arith.select %and3A_53, %sub3A_55, %div3A_34 : i32
    %jit3A_57 = arith.constant 4 : i32
    %eq3A_58 = arith.constant 0 : i32
    %eq3A_59 = arith.cmpi eq, %jit3A_57, %eq3A_58 : i32
    %jit3A_60 = arith.constant 1 : i32
    %select_n3A_61 = arith.select %eq3A_59, %jit3A_60, %jit3A_57 : i32
    %rem3A_62 = arith.remsi %add3A, %select_n3A_61 : i32
    %ne3A_63 = arith.constant 0 : i32
    %ne3A_64 = arith.cmpi ne, %rem3A_62, %ne3A_63 : i32
    %lt3A_65 = arith.constant 0 : i32
    %lt3A_66 = arith.cmpi slt, %rem3A_62, %lt3A_65 : i32
    %lt3A_67 = arith.constant 0 : i32
    %lt3A_68 = arith.cmpi slt, %select_n3A_61, %lt3A_67 : i32
    %ne3A_69 = arith.xori %lt3A_66, %lt3A_68 : i1
    %and3A_70 = arith.andi %ne3A_69, %ne3A_64 : i1
    %add3A_71 = arith.addi %rem3A_62, %select_n3A_61 : i32
    %select_n3A_72 = arith.select %and3A_70, %add3A_71, %rem3A_62 : i32
    %lt3A_73 = arith.constant 12 : i32
    %lt3A_74 = arith.cmpi slt, %add3A, %lt3A_73 : i32
    %convert_element_type3A = arith.extui %lt3A_74 : i1 to i32
    %cond3A = arith.constant 0 : i32
    %cond3A_75 = arith.cmpi ne, %convert_element_type3A, %cond3A : i32
    scf.if %cond3A_75 {
      %eq3A_169 = arith.constant 0 : i32
      %eq3A_170 = arith.cmpi eq, %select_n3A_56, %eq3A_169 : i32
      %convert_element_type3A_171 = arith.extui %eq3A_170 : i1 to i32
      %cond3A_172 = arith.constant 0 : i32
      %cond3A_173 = arith.cmpi ne, %convert_element_type3A_171, %cond3A_172 : i32
      scf.if %cond3A_173 {
        %dma_start3A_184 = arith.constant 0 : i32
        %dma_start3A_185 = tpu.memref_slice %arg8[%select_n3A_72, %dma_start3A_184] : memref<4x2048xi32, #tpu.memory_space<hbm>> -> memref<1x2048xi32, #tpu.memory_space<hbm>>
        %dma_start3A_186 = tpu.memref_squeeze %dma_start3A_185 : memref<1x2048xi32, #tpu.memory_space<hbm>> -> memref<2048xi32, #tpu.memory_space<hbm>>
        %dma_start3A_187 = arith.constant 0 : i32
        %dma_start3A_188 = tpu.memref_slice %arg3[%select_n3A_72, %dma_start3A_187] : memref<4x2048xi32, #tpu.memory_space<hbm>> -> memref<1x2048xi32, #tpu.memory_space<hbm>>
        %dma_start3A_189 = tpu.memref_squeeze %dma_start3A_188 : memref<1x2048xi32, #tpu.memory_space<hbm>> -> memref<2048xi32, #tpu.memory_space<hbm>>
        tpu.enqueue_dma source(%dma_start3A_189 : memref<2048xi32, #tpu.memory_space<hbm>>) target(%dma_start3A_186 : memref<2048xi32, #tpu.memory_space<hbm>>) target_semaphore(%arg18 : memref<!tpu.dma_semaphore, #tpu.memory_space<semaphore_mem>>)
      } else {
      }
      %eq3A_174 = arith.constant 1 : i32
      %eq3A_175 = arith.cmpi eq, %select_n3A_56, %eq3A_174 : i32
      %convert_element_type3A_176 = arith.extui %eq3A_175 : i1 to i32
      %cond3A_177 = arith.constant 0 : i32
      %cond3A_178 = arith.cmpi ne, %convert_element_type3A_176, %cond3A_177 : i32
      scf.if %cond3A_178 {
        %dma_start3A_184 = arith.constant 0 : i32
        %dma_start3A_185 = tpu.memref_slice %arg9[%select_n3A_72, %dma_start3A_184] : memref<4x2048xi32, #tpu.memory_space<hbm>> -> memref<1x2048xi32, #tpu.memory_space<hbm>>
        %dma_start3A_186 = tpu.memref_squeeze %dma_start3A_185 : memref<1x2048xi32, #tpu.memory_space<hbm>> -> memref<2048xi32, #tpu.memory_space<hbm>>
        %dma_start3A_187 = arith.constant 0 : i32
        %dma_start3A_188 = tpu.memref_slice %arg4[%select_n3A_72, %dma_start3A_187] : memref<4x2048xi32, #tpu.memory_space<hbm>> -> memref<1x2048xi32, #tpu.memory_space<hbm>>
        %dma_start3A_189 = tpu.memref_squeeze %dma_start3A_188 : memref<1x2048xi32, #tpu.memory_space<hbm>> -> memref<2048xi32, #tpu.memory_space<hbm>>
        tpu.enqueue_dma source(%dma_start3A_189 : memref<2048xi32, #tpu.memory_space<hbm>>) target(%dma_start3A_186 : memref<2048xi32, #tpu.memory_space<hbm>>) target_semaphore(%arg18 : memref<!tpu.dma_semaphore, #tpu.memory_space<semaphore_mem>>)
      } else {
      }
      %eq3A_179 = arith.constant 2 : i32
      %eq3A_180 = arith.cmpi eq, %select_n3A_56, %eq3A_179 : i32
      %convert_element_type3A_181 = arith.extui %eq3A_180 : i1 to i32
      %cond3A_182 = arith.constant 0 : i32
      %cond3A_183 = arith.cmpi ne, %convert_element_type3A_181, %cond3A_182 : i32
      scf.if %cond3A_183 {
        %dma_start3A_184 = arith.constant 0 : i32
        %dma_start3A_185 = tpu.memref_slice %arg10[%select_n3A_72, %dma_start3A_184] : memref<4x2048xi32, #tpu.memory_space<hbm>> -> memref<1x2048xi32, #tpu.memory_space<hbm>>
        %dma_start3A_186 = tpu.memref_squeeze %dma_start3A_185 : memref<1x2048xi32, #tpu.memory_space<hbm>> -> memref<2048xi32, #tpu.memory_space<hbm>>
        %dma_start3A_187 = arith.constant 0 : i32
        %dma_start3A_188 = tpu.memref_slice %arg5[%select_n3A_72, %dma_start3A_187] : memref<4x2048xi32, #tpu.memory_space<hbm>> -> memref<1x2048xi32, #tpu.memory_space<hbm>>
        %dma_start3A_189 = tpu.memref_squeeze %dma_start3A_188 : memref<1x2048xi32, #tpu.memory_space<hbm>> -> memref<2048xi32, #tpu.memory_space<hbm>>
        tpu.enqueue_dma source(%dma_start3A_189 : memref<2048xi32, #tpu.memory_space<hbm>>) target(%dma_start3A_186 : memref<2048xi32, #tpu.memory_space<hbm>>) target_semaphore(%arg18 : memref<!tpu.dma_semaphore, #tpu.memory_space<semaphore_mem>>)
      } else {
      }
    } else {
    }
    "tpu.region"() ({
      %run_scoped3A = tpu.sem_alloc : memref<!tpu.dma_semaphore, #tpu.memory_space<semaphore_mem>>
      %dma_start3A_169 = tpu.memref_slice %arg2[%select_n3A, %mul3A_32] : memref<4x2048xi32, #tpu.memory_space<hbm>> -> memref<1x256xi32, #tpu.memory_space<hbm>>
      %dma_start3A_170 = tpu.memref_squeeze %dma_start3A_169 : memref<1x256xi32, #tpu.memory_space<hbm>> -> memref<256xi32, #tpu.memory_space<hbm>>
      %dma_start3A_171 = tpu.memref_slice %arg2[%select_n3A, %mul3A_32] : memref<4x2048xi32, #tpu.memory_space<hbm>> -> memref<1x256xi32, #tpu.memory_space<hbm>>
      %dma_start3A_172 = tpu.memref_squeeze %dma_start3A_171 : memref<1x256xi32, #tpu.memory_space<hbm>> -> memref<256xi32, #tpu.memory_space<hbm>>
      tpu.enqueue_dma source(%dma_start3A_172 : memref<256xi32, #tpu.memory_space<hbm>>) target(%arg11 : memref<256xi32, #tpu.memory_space<vmem>>) target_semaphore(%run_scoped3A : memref<!tpu.dma_semaphore, #tpu.memory_space<semaphore_mem>>)
      %dma_wait3A_173 = tpu.memref_slice %arg2[%select_n3A, %mul3A_32] : memref<4x2048xi32, #tpu.memory_space<hbm>> -> memref<1x256xi32, #tpu.memory_space<hbm>>
      %dma_wait3A_174 = tpu.memref_squeeze %dma_wait3A_173 : memref<1x256xi32, #tpu.memory_space<hbm>> -> memref<256xi32, #tpu.memory_space<hbm>>
      %dma_wait3A_175 = tpu.memref_slice %arg2[%select_n3A, %mul3A_32] : memref<4x2048xi32, #tpu.memory_space<hbm>> -> memref<1x256xi32, #tpu.memory_space<hbm>>
      %dma_wait3A_176 = tpu.memref_squeeze %dma_wait3A_175 : memref<1x256xi32, #tpu.memory_space<hbm>> -> memref<256xi32, #tpu.memory_space<hbm>>
      tpu.wait_dma2 semaphore(%run_scoped3A : memref<!tpu.dma_semaphore, #tpu.memory_space<semaphore_mem>>) src(%dma_wait3A_176 : memref<256xi32, #tpu.memory_space<hbm>>) dst(%arg11 : memref<256xi32, #tpu.memory_space<vmem>>)
      tpu.yield
    }) : () -> ()
    %dma_start3A = arith.constant 0 : i32
    %dma_start3A_76 = tpu.memref_slice %arg11[%dma_start3A] : memref<256xi32, #tpu.memory_space<vmem>> -> memref<64xi32, #tpu.memory_space<vmem>>
    %dma_start3A_77 = arith.constant 0 : i32
    %dma_start3A_78 = arith.constant 0 : i32
    %dma_start3A_79 = tpu.memref_slice %arg6[%dma_start3A_77, %dma_start3A_78] : memref<100000x768xf32, #tpu.memory_space<hbm>> -> memref<100000x768xf32, #tpu.memory_space<hbm>>
    tpu.enqueue_indirect_dma source(%dma_start3A_79 : memref<100000x768xf32, #tpu.memory_space<hbm>>) target(%arg12 : memref<64x768xf32, #tpu.memory_space<vmem>>) offsets(%dma_start3A_76 : memref<64xi32, #tpu.memory_space<vmem>>) semaphore(%arg14 : memref<!tpu.dma_semaphore, #tpu.memory_space<semaphore_mem>>)
    %dma_start3A_80 = arith.constant 64 : i32
    %dma_start3A_81 = tpu.memref_slice %arg11[%dma_start3A_80] : memref<256xi32, #tpu.memory_space<vmem>> -> memref<64xi32, #tpu.memory_space<vmem>>
    %dma_start3A_82 = arith.constant 0 : i32
    %dma_start3A_83 = arith.constant 0 : i32
    %dma_start3A_84 = tpu.memref_slice %arg6[%dma_start3A_82, %dma_start3A_83] : memref<100000x768xf32, #tpu.memory_space<hbm>> -> memref<100000x768xf32, #tpu.memory_space<hbm>>
    tpu.enqueue_indirect_dma source(%dma_start3A_84 : memref<100000x768xf32, #tpu.memory_space<hbm>>) target(%arg13 : memref<64x768xf32, #tpu.memory_space<vmem>>) offsets(%dma_start3A_81 : memref<64xi32, #tpu.memory_space<vmem>>) semaphore(%arg15 : memref<!tpu.dma_semaphore, #tpu.memory_space<semaphore_mem>>)
    %dma_wait3A = arith.constant 0 : i32
    %dma_wait3A_85 = tpu.memref_slice %arg11[%dma_wait3A] : memref<256xi32, #tpu.memory_space<vmem>> -> memref<64xi32, #tpu.memory_space<vmem>>
    %dma_wait3A_86 = arith.constant 0 : i32
    %dma_wait3A_87 = arith.constant 0 : i32
    %dma_wait3A_88 = tpu.memref_slice %arg6[%dma_wait3A_86, %dma_wait3A_87] : memref<100000x768xf32, #tpu.memory_space<hbm>> -> memref<100000x768xf32, #tpu.memory_space<hbm>>
    tpu.wait_indirect_dma semaphore(%arg14 : memref<!tpu.dma_semaphore, #tpu.memory_space<semaphore_mem>>) src(%dma_wait3A_88 : memref<100000x768xf32, #tpu.memory_space<hbm>>) dst(%arg12 : memref<64x768xf32, #tpu.memory_space<vmem>>)
    %add3A_89 = arith.constant 0 : i32
    %add3A_90 = arith.addi %mul3A_32, %add3A_89 : i32
    %dma_start3A_91 = arith.constant 0 : i32
    %dma_start3A_92 = tpu.memref_slice %arg7[%select_n3A, %add3A_90, %dma_start3A_91] : memref<4x2048x768xf32, #tpu.memory_space<hbm>> -> memref<1x64x768xf32, #tpu.memory_space<hbm>>
    %dma_start3A_93 = tpu.memref_squeeze %dma_start3A_92 : memref<1x64x768xf32, #tpu.memory_space<hbm>> -> memref<64x768xf32, #tpu.memory_space<hbm>>
    %dma_start3A_94 = arith.constant 0 : i32
    %dma_start3A_95 = tpu.memref_slice %arg7[%select_n3A, %add3A_90, %dma_start3A_94] : memref<4x2048x768xf32, #tpu.memory_space<hbm>> -> memref<1x64x768xf32, #tpu.memory_space<hbm>>
    %dma_start3A_96 = tpu.memref_squeeze %dma_start3A_95 : memref<1x64x768xf32, #tpu.memory_space<hbm>> -> memref<64x768xf32, #tpu.memory_space<hbm>>
    tpu.enqueue_dma source(%arg12 : memref<64x768xf32, #tpu.memory_space<vmem>>) target(%dma_start3A_96 : memref<64x768xf32, #tpu.memory_space<hbm>>) target_semaphore(%arg16 : memref<!tpu.dma_semaphore, #tpu.memory_space<semaphore_mem>>)
    %dma_wait3A_97 = arith.constant 0 : i32
    %dma_wait3A_98 = tpu.memref_slice %arg7[%select_n3A, %add3A_90, %dma_wait3A_97] : memref<4x2048x768xf32, #tpu.memory_space<hbm>> -> memref<1x64x768xf32, #tpu.memory_space<hbm>>
    %dma_wait3A_99 = tpu.memref_squeeze %dma_wait3A_98 : memref<1x64x768xf32, #tpu.memory_space<hbm>> -> memref<64x768xf32, #tpu.memory_space<hbm>>
    %dma_wait3A_100 = arith.constant 0 : i32
    %dma_wait3A_101 = tpu.memref_slice %arg7[%select_n3A, %add3A_90, %dma_wait3A_100] : memref<4x2048x768xf32, #tpu.memory_space<hbm>> -> memref<1x64x768xf32, #tpu.memory_space<hbm>>
    %dma_wait3A_102 = tpu.memref_squeeze %dma_wait3A_101 : memref<1x64x768xf32, #tpu.memory_space<hbm>> -> memref<64x768xf32, #tpu.memory_space<hbm>>
    tpu.wait_dma2 semaphore(%arg16 : memref<!tpu.dma_semaphore, #tpu.memory_space<semaphore_mem>>) src(%arg12 : memref<64x768xf32, #tpu.memory_space<vmem>>) dst(%dma_wait3A_102 : memref<64x768xf32, #tpu.memory_space<hbm>>)
    %dma_start3A_103 = arith.constant 128 : i32
    %dma_start3A_104 = tpu.memref_slice %arg11[%dma_start3A_103] : memref<256xi32, #tpu.memory_space<vmem>> -> memref<64xi32, #tpu.memory_space<vmem>>
    %dma_start3A_105 = arith.constant 0 : i32
    %dma_start3A_106 = arith.constant 0 : i32
    %dma_start3A_107 = tpu.memref_slice %arg6[%dma_start3A_105, %dma_start3A_106] : memref<100000x768xf32, #tpu.memory_space<hbm>> -> memref<100000x768xf32, #tpu.memory_space<hbm>>
    tpu.enqueue_indirect_dma source(%dma_start3A_107 : memref<100000x768xf32, #tpu.memory_space<hbm>>) target(%arg12 : memref<64x768xf32, #tpu.memory_space<vmem>>) offsets(%dma_start3A_104 : memref<64xi32, #tpu.memory_space<vmem>>) semaphore(%arg14 : memref<!tpu.dma_semaphore, #tpu.memory_space<semaphore_mem>>)
    %dma_wait3A_108 = arith.constant 64 : i32
    %dma_wait3A_109 = tpu.memref_slice %arg11[%dma_wait3A_108] : memref<256xi32, #tpu.memory_space<vmem>> -> memref<64xi32, #tpu.memory_space<vmem>>
    %dma_wait3A_110 = arith.constant 0 : i32
    %dma_wait3A_111 = arith.constant 0 : i32
    %dma_wait3A_112 = tpu.memref_slice %arg6[%dma_wait3A_110, %dma_wait3A_111] : memref<100000x768xf32, #tpu.memory_space<hbm>> -> memref<100000x768xf32, #tpu.memory_space<hbm>>
    tpu.wait_indirect_dma semaphore(%arg15 : memref<!tpu.dma_semaphore, #tpu.memory_space<semaphore_mem>>) src(%dma_wait3A_112 : memref<100000x768xf32, #tpu.memory_space<hbm>>) dst(%arg13 : memref<64x768xf32, #tpu.memory_space<vmem>>)
    %add3A_113 = arith.constant 64 : i32
    %add3A_114 = arith.addi %mul3A_32, %add3A_113 : i32
    %dma_start3A_115 = arith.constant 0 : i32
    %dma_start3A_116 = tpu.memref_slice %arg7[%select_n3A, %add3A_114, %dma_start3A_115] : memref<4x2048x768xf32, #tpu.memory_space<hbm>> -> memref<1x64x768xf32, #tpu.memory_space<hbm>>
    %dma_start3A_117 = tpu.memref_squeeze %dma_start3A_116 : memref<1x64x768xf32, #tpu.memory_space<hbm>> -> memref<64x768xf32, #tpu.memory_space<hbm>>
    %dma_start3A_118 = arith.constant 0 : i32
    %dma_start3A_119 = tpu.memref_slice %arg7[%select_n3A, %add3A_114, %dma_start3A_118] : memref<4x2048x768xf32, #tpu.memory_space<hbm>> -> memref<1x64x768xf32, #tpu.memory_space<hbm>>
    %dma_start3A_120 = tpu.memref_squeeze %dma_start3A_119 : memref<1x64x768xf32, #tpu.memory_space<hbm>> -> memref<64x768xf32, #tpu.memory_space<hbm>>
    tpu.enqueue_dma source(%arg13 : memref<64x768xf32, #tpu.memory_space<vmem>>) target(%dma_start3A_120 : memref<64x768xf32, #tpu.memory_space<hbm>>) target_semaphore(%arg17 : memref<!tpu.dma_semaphore, #tpu.memory_space<semaphore_mem>>)
    %dma_wait3A_121 = arith.constant 0 : i32
    %dma_wait3A_122 = tpu.memref_slice %arg7[%select_n3A, %add3A_114, %dma_wait3A_121] : memref<4x2048x768xf32, #tpu.memory_space<hbm>> -> memref<1x64x768xf32, #tpu.memory_space<hbm>>
    %dma_wait3A_123 = tpu.memref_squeeze %dma_wait3A_122 : memref<1x64x768xf32, #tpu.memory_space<hbm>> -> memref<64x768xf32, #tpu.memory_space<hbm>>
    %dma_wait3A_124 = arith.constant 0 : i32
    %dma_wait3A_125 = tpu.memref_slice %arg7[%select_n3A, %add3A_114, %dma_wait3A_124] : memref<4x2048x768xf32, #tpu.memory_space<hbm>> -> memref<1x64x768xf32, #tpu.memory_space<hbm>>
    %dma_wait3A_126 = tpu.memref_squeeze %dma_wait3A_125 : memref<1x64x768xf32, #tpu.memory_space<hbm>> -> memref<64x768xf32, #tpu.memory_space<hbm>>
    tpu.wait_dma2 semaphore(%arg17 : memref<!tpu.dma_semaphore, #tpu.memory_space<semaphore_mem>>) src(%arg13 : memref<64x768xf32, #tpu.memory_space<vmem>>) dst(%dma_wait3A_126 : memref<64x768xf32, #tpu.memory_space<hbm>>)
    %dma_start3A_127 = arith.constant 192 : i32
    %dma_start3A_128 = tpu.memref_slice %arg11[%dma_start3A_127] : memref<256xi32, #tpu.memory_space<vmem>> -> memref<64xi32, #tpu.memory_space<vmem>>
    %dma_start3A_129 = arith.constant 0 : i32
    %dma_start3A_130 = arith.constant 0 : i32
    %dma_start3A_131 = tpu.memref_slice %arg6[%dma_start3A_129, %dma_start3A_130] : memref<100000x768xf32, #tpu.memory_space<hbm>> -> memref<100000x768xf32, #tpu.memory_space<hbm>>
    tpu.enqueue_indirect_dma source(%dma_start3A_131 : memref<100000x768xf32, #tpu.memory_space<hbm>>) target(%arg13 : memref<64x768xf32, #tpu.memory_space<vmem>>) offsets(%dma_start3A_128 : memref<64xi32, #tpu.memory_space<vmem>>) semaphore(%arg15 : memref<!tpu.dma_semaphore, #tpu.memory_space<semaphore_mem>>)
    %dma_wait3A_132 = arith.constant 128 : i32
    %dma_wait3A_133 = tpu.memref_slice %arg11[%dma_wait3A_132] : memref<256xi32, #tpu.memory_space<vmem>> -> memref<64xi32, #tpu.memory_space<vmem>>
    %dma_wait3A_134 = arith.constant 0 : i32
    %dma_wait3A_135 = arith.constant 0 : i32
    %dma_wait3A_136 = tpu.memref_slice %arg6[%dma_wait3A_134, %dma_wait3A_135] : memref<100000x768xf32, #tpu.memory_space<hbm>> -> memref<100000x768xf32, #tpu.memory_space<hbm>>
    tpu.wait_indirect_dma semaphore(%arg14 : memref<!tpu.dma_semaphore, #tpu.memory_space<semaphore_mem>>) src(%dma_wait3A_136 : memref<100000x768xf32, #tpu.memory_space<hbm>>) dst(%arg12 : memref<64x768xf32, #tpu.memory_space<vmem>>)
    %add3A_137 = arith.constant 128 : i32
    %add3A_138 = arith.addi %mul3A_32, %add3A_137 : i32
    %dma_start3A_139 = arith.constant 0 : i32
    %dma_start3A_140 = tpu.memref_slice %arg7[%select_n3A, %add3A_138, %dma_start3A_139] : memref<4x2048x768xf32, #tpu.memory_space<hbm>> -> memref<1x64x768xf32, #tpu.memory_space<hbm>>
    %dma_start3A_141 = tpu.memref_squeeze %dma_start3A_140 : memref<1x64x768xf32, #tpu.memory_space<hbm>> -> memref<64x768xf32, #tpu.memory_space<hbm>>
    %dma_start3A_142 = arith.constant 0 : i32
    %dma_start3A_143 = tpu.memref_slice %arg7[%select_n3A, %add3A_138, %dma_start3A_142] : memref<4x2048x768xf32, #tpu.memory_space<hbm>> -> memref<1x64x768xf32, #tpu.memory_space<hbm>>
    %dma_start3A_144 = tpu.memref_squeeze %dma_start3A_143 : memref<1x64x768xf32, #tpu.memory_space<hbm>> -> memref<64x768xf32, #tpu.memory_space<hbm>>
    tpu.enqueue_dma source(%arg12 : memref<64x768xf32, #tpu.memory_space<vmem>>) target(%dma_start3A_144 : memref<64x768xf32, #tpu.memory_space<hbm>>) target_semaphore(%arg16 : memref<!tpu.dma_semaphore, #tpu.memory_space<semaphore_mem>>)
    %dma_wait3A_145 = arith.constant 192 : i32
    %dma_wait3A_146 = tpu.memref_slice %arg11[%dma_wait3A_145] : memref<256xi32, #tpu.memory_space<vmem>> -> memref<64xi32, #tpu.memory_space<vmem>>
    %dma_wait3A_147 = arith.constant 0 : i32
    %dma_wait3A_148 = arith.constant 0 : i32
    %dma_wait3A_149 = tpu.memref_slice %arg6[%dma_wait3A_147, %dma_wait3A_148] : memref<100000x768xf32, #tpu.memory_space<hbm>> -> memref<100000x768xf32, #tpu.memory_space<hbm>>
    tpu.wait_indirect_dma semaphore(%arg15 : memref<!tpu.dma_semaphore, #tpu.memory_space<semaphore_mem>>) src(%dma_wait3A_149 : memref<100000x768xf32, #tpu.memory_space<hbm>>) dst(%arg13 : memref<64x768xf32, #tpu.memory_space<vmem>>)
    %add3A_150 = arith.constant 192 : i32
    %add3A_151 = arith.addi %mul3A_32, %add3A_150 : i32
    %dma_start3A_152 = arith.constant 0 : i32
    %dma_start3A_153 = tpu.memref_slice %arg7[%select_n3A, %add3A_151, %dma_start3A_152] : memref<4x2048x768xf32, #tpu.memory_space<hbm>> -> memref<1x64x768xf32, #tpu.memory_space<hbm>>
    %dma_start3A_154 = tpu.memref_squeeze %dma_start3A_153 : memref<1x64x768xf32, #tpu.memory_space<hbm>> -> memref<64x768xf32, #tpu.memory_space<hbm>>
    %dma_start3A_155 = arith.constant 0 : i32
    %dma_start3A_156 = tpu.memref_slice %arg7[%select_n3A, %add3A_151, %dma_start3A_155] : memref<4x2048x768xf32, #tpu.memory_space<hbm>> -> memref<1x64x768xf32, #tpu.memory_space<hbm>>
    %dma_start3A_157 = tpu.memref_squeeze %dma_start3A_156 : memref<1x64x768xf32, #tpu.memory_space<hbm>> -> memref<64x768xf32, #tpu.memory_space<hbm>>
    tpu.enqueue_dma source(%arg13 : memref<64x768xf32, #tpu.memory_space<vmem>>) target(%dma_start3A_157 : memref<64x768xf32, #tpu.memory_space<hbm>>) target_semaphore(%arg17 : memref<!tpu.dma_semaphore, #tpu.memory_space<semaphore_mem>>)
    %dma_wait3A_158 = arith.constant 0 : i32
    %dma_wait3A_159 = tpu.memref_slice %arg7[%select_n3A, %add3A_151, %dma_wait3A_158] : memref<4x2048x768xf32, #tpu.memory_space<hbm>> -> memref<1x64x768xf32, #tpu.memory_space<hbm>>
    %dma_wait3A_160 = tpu.memref_squeeze %dma_wait3A_159 : memref<1x64x768xf32, #tpu.memory_space<hbm>> -> memref<64x768xf32, #tpu.memory_space<hbm>>
    %dma_wait3A_161 = arith.constant 0 : i32
    %dma_wait3A_162 = tpu.memref_slice %arg7[%select_n3A, %add3A_151, %dma_wait3A_161] : memref<4x2048x768xf32, #tpu.memory_space<hbm>> -> memref<1x64x768xf32, #tpu.memory_space<hbm>>
    %dma_wait3A_163 = tpu.memref_squeeze %dma_wait3A_162 : memref<1x64x768xf32, #tpu.memory_space<hbm>> -> memref<64x768xf32, #tpu.memory_space<hbm>>
    tpu.wait_dma2 semaphore(%arg17 : memref<!tpu.dma_semaphore, #tpu.memory_space<semaphore_mem>>) src(%arg13 : memref<64x768xf32, #tpu.memory_space<vmem>>) dst(%dma_wait3A_163 : memref<64x768xf32, #tpu.memory_space<hbm>>)
    %lt3A_164 = arith.constant 12 : i32
    %lt3A_165 = arith.cmpi slt, %add3A, %lt3A_164 : i32
    %convert_element_type3A_166 = arith.extui %lt3A_165 : i1 to i32
    %cond3A_167 = arith.constant 0 : i32
    %cond3A_168 = arith.cmpi ne, %convert_element_type3A_166, %cond3A_167 : i32
    scf.if %cond3A_168 {
      %dma_wait3A_169 = arith.constant 0 : i32
      %dma_wait3A_170 = arith.constant 0 : i32
      %dma_wait3A_171 = arith.constant 0 : i32
      %dma_wait3A_172 = tpu.memref_slice %arg8[%dma_wait3A_170, %dma_wait3A_171] : memref<4x2048xi32, #tpu.memory_space<hbm>> -> memref<1x2048xi32, #tpu.memory_space<hbm>>
      %dma_wait3A_173 = tpu.memref_squeeze %dma_wait3A_172 : memref<1x2048xi32, #tpu.memory_space<hbm>> -> memref<2048xi32, #tpu.memory_space<hbm>>
      %dma_wait3A_174 = arith.constant 0 : i32
      %dma_wait3A_175 = tpu.memref_slice %arg3[%dma_wait3A_169, %dma_wait3A_174] : memref<4x2048xi32, #tpu.memory_space<hbm>> -> memref<1x2048xi32, #tpu.memory_space<hbm>>
      %dma_wait3A_176 = tpu.memref_squeeze %dma_wait3A_175 : memref<1x2048xi32, #tpu.memory_space<hbm>> -> memref<2048xi32, #tpu.memory_space<hbm>>
      tpu.wait_dma2 semaphore(%arg18 : memref<!tpu.dma_semaphore, #tpu.memory_space<semaphore_mem>>) src(%dma_wait3A_176 : memref<2048xi32, #tpu.memory_space<hbm>>) dst(%dma_wait3A_173 : memref<2048xi32, #tpu.memory_space<hbm>>)
    } else {
    }
    return
  }
}

</mosaic_0001>

<sc_bundles>
// kernel: _embed_lookup.3.cloned.1.call-start
scs
__scs_entry_jumppad:
0x0: {  	(pc) =	sbr.rel $0x88, $3  }
0x1: {  	(tag) =	ssettag $0x0;
	lr =	simm.s32 $0x1  }
0x2: {  	[smem:$0x3F9C] =	sst lr;
	_ =	strace $0xD0000000  }
0x3: {  	_ = 	snop  }
0x4: {  	_ = 	snop  }
0x5: {  	_ = 	snop  }
0x6: {  	_ = 	snop  }
0x7: {  	_ = 	snop  }
__scs_overlays_trampoline_lowered:
0x8: {  	[smem:$0x3FAB] =	sst s0  }
0x9: {  	[smem:$0x3FAC] =	sst s1  }
0xa: {  	[smem:$0x3FAD] =	sst s2  }
0xb: {  	[smem:$0x3FAE] =	sst s3  }
0xc: {  	[smem:$0x3FAF] =	sst s4  }
0xd: {  	[smem:$0x3FB0] =	sst s5  }
0xe: {  	[smem:$0x3FB1] =	sst s6  }
0xf: {  	[smem:$0x3FB2] =	sst s7  }
0x10: {  	[smem:$0x3FB3] =	sst s8  }
0x11: {  	[smem:$0x3FB4] =	sst s9;
	s0 =	simm.s32 @!p0 $0x0  }
0x12: {  	s1 =	sld [smem:$0x3F9A];
	s0 =	simm.s32 @p0 $0x1  }
0x13: {  	[smem:$0x3FB5] =	sst s0;
	s0 =	simm.s32 @!p1 $0x0  }
0x14: {  	s2 =	sld [smem:$0x3F99];
	s0 =	simm.s32 @p1 $0x1  }
0x15: {  	[smem:$0x3FB6] =	sst s0;
	s0 =	simm.s32 @!p2 $0x0  }
0x16: {  	s3 =	sld [smem:$0x3FDB];
	s0 =	simm.s32 @p2 $0x1  }
0x17: {  	s4 =	simm.s32 $0x1BF5;
	[smem:$0x3FB8] =	sst s0  }
0x18: {  	s0 =	sld [smem:$0x3F9B];
	_ =	swait.ge [sflag:s4], $0x0  }
0x19: {  	s7 =	sld [smem:$0x3F9C]  }
0x1a: {  	s8 =	sadd.s32 $0xFFFFE003, lr  }
0x1b: {  	s9 =	sadd.s32 $0xFFFFFEF7, lr;
	s5 =	simm.s32 $0xFFFFFFFF;
	p2 =	slt.u32 s8, $0xFFFFF086  }
0x1c: {  	p1 =	slt.u32 s9, $0xF7A;
	s5 =	simm.s32 @!p2 $0x0  }
0x1d: {  	s5 =	simm.s32 @p1 $0x1;
	p0 =	seq.s32 s7, s2  }
0x1e: {  	s7 =	smul.u32 @!p0 $0xF7A, s2;
	p2 =	seq.s32 @!p0 s5, $0x0  }
0x1f: {  	s9 =	smul.u32 $0xF7A, s1;
	s8 =	simm.s32 @!p0 $0x1BF5;
	p2 =	por !p2, p0  }
0x20: {  	[sflag:s8] =	ssyncset.s32 @!p0 $0xFFFFF086;
	s6 =	sadd.s32 @!p0 s3, s7;
	s7 =	simm.s32 @!p0 $0x108  }
0x21: {  	s3 =	sadd.s32 s3, s9;
	s6 =	sadd.s32 @!p0 $0x88, s6;
	s7 =	simm.s32 @p2 $0x1082  }
0x22: {  	[simem:s7], [sflag:s8] =	dma.local @!p0 [hbm:s6], $0xF7A  }
0x23: {  	s9 =	sor.u32 $0xD0000000, s2;
	s6 =	simm.s32 $0x108;
	_ =	swait.ge @!p0 [sflag:s8], $0x0  }
0x24: {  	s3 =	sadd.s32 $0x88, s3;
	s6 =	simm.s32 @!p1 $0x1082;
	[sflag:s4] =	ssyncset.s32 $0xFFFFF086  }
0x25: {  	[simem:s6], [sflag:s4] =	dma.local [hbm:s3], $0xF7A  }
0x26: {  	[smem:$0x3F9C] =	sst s1;
	(tag) =	ssettag s2;
	_ =	strace s9  }
0x27: {  	s1 =	sld [smem:$0x3FAC]  }
0x28: {  	s2 =	sld [smem:$0x3FAD]  }
0x29: {  	s4 =	sld [smem:$0x3FAF]  }
0x2a: {  	p0 =	seq.s32 s5, $0x0;
	s5 =	sld [smem:$0x3FB0]  }
0x2b: {  	s6 =	sld [smem:$0x3FB1]  }
0x2c: {  	s7 =	sld [smem:$0x3FB2]  }
0x2d: {  	s3 =	simm.s32 $0x108;
	s8 =	sld [smem:$0x3FB3]  }
0x2e: {  	s3 =	simm.s32 @!p0 $0x1082;
	s9 =	sld [smem:$0x3FB4]  }
0x2f: {  	lr =	sadd.s32 s0, s3;
	s0 =	sld [smem:$0x3FAB]  }
0x30: {  	s3 =	sld [smem:$0x3FAE]  }
0x31: {  	[smem:$0x3FB7] =	sst s10  }
0x32: {  	s10 =	sld [smem:$0x3FB5];
	_ =	sdelay $0x3  }
0x33: {  	p0 =	seq.s32 s10, $0x1;
	s10 =	sld [smem:$0x3FB7];
	_ =	sdelay $0x3  }
0x34: {  	[smem:$0x3FB7] =	sst s10  }
0x35: {  	s10 =	sld [smem:$0x3FB6];
	_ =	sdelay $0x3  }
0x36: {  	p1 =	seq.s32 s10, $0x1;
	s10 =	sld [smem:$0x3FB7];
	_ =	sdelay $0x3  }
0x37: {  	[smem:$0x3FB7] =	sst s10  }
0x38: {  	s10 =	sld [smem:$0x3FB8]  }
0x39: {  	_ = 	snop;
	(pc) =	sbr.ind lr, $3  }
0x3a: {  	_ = 	snop  }
0x3b: {  	_ = 	snop  }
0x3c: {  	p2 =	seq.s32 s10, $0x1;
	s10 =	sld [smem:$0x3FB7]  }
0x3d: {  	_ =	shalt  }
0x3e: {  	_ =	shalt  }
0x3f: {  	_ =	shalt  }
0x40: {  	_ =	shalt  }
0x41: {  	_ =	shalt  }
0x42: {  	_ =	shalt  }
0x43: {  	_ =	shalt  }
0x44: {  	_ =	shalt  }
0x45: {  	_ =	shalt  }
0x46: {  	_ =	shalt  }
0x47: {  	_ =	shalt  }
0x48: {  	_ =	shalt  }
0x49: {  	_ =	shalt  }
0x4a: {  	_ =	shalt  }
0x4b: {  	_ =	shalt  }
0x4c: {  	_ =	shalt  }
0x4d: {  	_ =	shalt  }
0x4e: {  	_ =	shalt  }
0x4f: {  	_ =	shalt  }
0x50: {  	_ =	shalt  }
0x51: {  	_ =	shalt  }
0x52: {  	_ =	shalt  }
0x53: {  	_ =	shalt  }
0x54: {  	_ =	shalt  }
0x55: {  	_ =	shalt  }
0x56: {  	_ =	shalt  }
0x57: {  	_ =	shalt  }
0x58: {  	_ =	shalt  }
0x59: {  	_ =	shalt  }
0x5a: {  	_ =	shalt  }
0x5b: {  	_ =	shalt  }
0x5c: {  	_ =	shalt  }
0x5d: {  	_ =	shalt  }
0x5e: {  	_ =	shalt  }
0x5f: {  	_ =	shalt  }
0x60: {  	_ =	shalt  }
0x61: {  	_ =	shalt  }
0x62: {  	_ =	shalt  }
0x63: {  	_ =	shalt  }
0x64: {  	_ =	shalt  }
0x65: {  	_ =	shalt  }
0x66: {  	_ =	shalt  }
0x67: {  	_ =	shalt  }
0x68: {  	_ =	shalt  }
0x69: {  	_ =	shalt  }
0x6a: {  	_ =	shalt  }
0x6b: {  	_ =	shalt  }
0x6c: {  	_ =	shalt  }
0x6d: {  	_ =	shalt  }
0x6e: {  	_ =	shalt  }
0x6f: {  	_ =	shalt  }
0x70: {  	_ =	shalt  }
0x71: {  	_ =	shalt  }
0x72: {  	_ =	shalt  }
0x73: {  	_ =	shalt  }
0x74: {  	_ =	shalt  }
0x75: {  	_ =	shalt  }
0x76: {  	_ =	shalt  }
0x77: {  	_ =	shalt  }
0x78: {  	_ =	shalt  }
0x79: {  	_ =	shalt  }
0x7a: {  	_ =	shalt  }
0x7b: {  	_ =	shalt  }
0x7c: {  	_ =	shalt  }
0x7d: {  	_ =	shalt  }
0x7e: {  	_ =	shalt  }
0x7f: {  	_ =	shalt  }
0x80: {  	_ =	shalt  }
0x81: {  	_ =	shalt  }
0x82: {  	_ =	shalt  }
0x83: {  	_ =	shalt  }
0x84: {  	_ =	shalt  }
0x85: {  	_ =	shalt  }
0x86: {  	_ =	shalt  }
0x87: {  	_ =	shalt  }
.Lfunc_end0:
.L_simem_size_0:
called_computation_lowered:
.L_overlay_start_0:
0x88: {  	s2 =	sld [smem:$0x3FD9]  }
0x89: {  	s3 =	sld [smem:$0x3FFE];
	_ =	sdelay $0x1  }
0x8a: {  	s1 =	srdreg.scid  }
0x8b: {  	s0 =	sand.u32 $0x1, s1  }
0x8c: {  	s15 =	sshll.u32 s0, $0xA;
	s2 =	sadd.s32 s3, s2  }
0x8d: {  	s2 =	sadd.s32 s2, s15  }
0x8e: {  	[smem:$0x3FC3] =	sst s2  }
0x8f: {  	_ = 	snop  }
0x90: {  	s2 =	sld [smem:$0x3FC9]  }
0x91: {  	s16 =	sld [smem:$0x3FC8]  }
0x92: {  	s4 =	sld [smem:$0x3FD0]  }
0x93: {  	s5 =	sld [smem:$0x3FC7]  }
0x94: {  	s6 =	sld [smem:$0x3FC6]  }
0x95: {  	s8 =	simm.s32 $0xA;
	s9 =	simm.s32 $0x10;
	s7 =	sld [smem:$0x3FC5]  }
0x96: {  	[smem:s9], [sflag:s8] =	dma.local [hbm:s4], $0x1  }
0x97: {  	_ =	swait.eq [sflag:s8], $0x1  }
0x98: {  	s17 =	sld [smem:$0x10]  }
0x99: {  	s18 =	sld [smem:$0x11];
	[sflag:s8] =	ssyncset.done $0x0  }
0x9a: {  	s10 =	sld [smem:$0x12];
	[sflag:s8] =	ssyncadd.s32 $0xFFFFFFFF  }
0x9b: {  	s19 =	sld [smem:$0x13];
	(tm) =	ssettm $0x1  }
0x9c: {  	s11 =	sld [smem:$0x3FFB];
	_ =	sdelay $0x3  }
0x9d: {  	_ =	strace s11  }
0x9e: {  	s11 =	sld [smem:$0x3FFC];
	_ =	sdelay $0x3  }
0x9f: {  	_ =	strace s11  }
0xa0: {  	s11 =	sld [smem:$0x3FFD];
	_ =	sdelay $0x3  }
0xa1: {  	_ =	strace s11  }
0xa2: {  	_ =	strace $0x8FFFFFFF  }
0xa3: {  	s20 =	sld [smem:$0x3FDB];
	_ =	sdelay $0x1  }
0xa4: {  	s12 =	simm.s32 $_scs_section_size  }
0xa5: {  	s13 =	simm.s32 $_size__tile_overlayer_lowered;
	s14 =	simm.s32 $_tile_overlayer_lowered  }
0xa6: {  	s23 =	simm.s32 $0x1BFF;
	s22 =	sshll.u32 s14, $0x1;
	s11 =	sadd.s32 s12, s20  }
0xa7: {  	s21 =	sshll.u32 s13, $0x1;
	s15 =	simm.s32 $0x0;
	s13 =	sadd.s32 s22, s11  }
0xa8: {  	[timem:s15], [sflag:s23] =	dma.local [hbm:s13], s21  }
0xa9: {  	_ =	swait.ge [sflag:s23], s21  }
0xaa: {  	s12 =	ssub.s32 $0x0, s21;
	[sflag:s23] =	ssyncset.done $0x0  }
0xab: {  	[sflag:s23] =	ssyncadd.s32 s12;
	_ =	sdelay $0x1  }
0xac: {  	s24 =	simm.s32 $0x1B8B  }
0xad: {  	_ =	swait.ge [sflag:s24], $0x1  }
0xae: {  	[sflag:s24] =	ssyncset.done $0x0  }
0xaf: {  	s25 =	simm.s32 $0x1B8E;
	[sflag:s24] =	ssyncadd.s32 $0xFFFFFFFF  }
0xb0: {  	s26 =	simm.s32 $execute0_lowered;
	[smem:$0x3FD2] =	sst s25  }
0xb1: {  	s12 =	sshll.u32 s26, $0x1;
	_ =	strace $0x80000046;
	[dreg:$0x1] =	wrdreg $0xFFFFFFFF  }
0xb2: {  	s28 =	simm.s32 $_size_execute0_lowered;
	s11 =	sadd.s32 s11, s12;
	[dreg:$0x0] =	wrdreg $0x0  }
0xb3: {  	s12 =	sshll.u32 s28, $0x1;
	[dreg:$0x2] =	wrdreg s11  }
0xb4: {  	[dreg:$0x3] =	wrdreg s12  }
0xb5: {  	[dreg:$0x4] =	wrdreg $0xC0  }
0xb6: {  	_ =	task [dreg:s15], $0x5FFFF  }
0xb7: {  	[dreg:$0x1] =	wrdreg $0xFFFFFFFF  }
0xb8: {  	[dreg:$0x0] =	wrdreg $0x60  }
0xb9: {  	[dreg:$0x2] =	wrdreg s2  }
0xba: {  	[dreg:$0x3] =	wrdreg s16  }
0xbb: {  	[dreg:$0x4] =	wrdreg s5  }
0xbc: {  	[dreg:$0x5] =	wrdreg s6  }
0xbd: {  	[dreg:$0x6] =	wrdreg s7  }
0xbe: {  	[dreg:$0x7] =	wrdreg s17  }
0xbf: {  	[dreg:$0x8] =	wrdreg s18  }
0xc0: {  	[dreg:$0x9] =	wrdreg s10  }
0xc1: {  	[dreg:$0xa] =	wrdreg s19  }
0xc2: {  	[dreg:$0xb] =	wrdreg $0x9  }
0xc3: {  	_ =	task.clear_ibuf [dreg:s15], $0xCFFFF;
	_ =	strace $0x90000046  }
0xc4: {  	s29 =	simm.s32 $0x9;
	_ =	strace $0x80000048  }
0xc5: {  	_ =	swait.ge [sflag:s29], $0x1  }
0xc6: {  	[sflag:s29] =	ssyncadd.s32 $0xFFFFFFFF  }
0xc7: {  	_ =	strace $0x90000048  }
0xc8: {  	_ =	sfence  }
0xc9: {  	s30 =	sld [smem:$0x0];
	_ =	sdelay $0x2  }
0xca: {  	s31 =	sshll.u32 s1, $0xD;
	s1 =	sshrl.u32 s1, $0x2  }
0xcb: {  	s3 =	sand.u32 $0x4000, s31;
	s1 =	sadd.s32 s1, s30  }
0xcc: {  	s0 =	sor.u32 s3, s0;
	s1 =	sshll.u32 s1, $0x11  }
0xcd: {  	s0 =	sor.u32 s1, s0  }
0xce: {  	s0 =	sadd.s32 $0x8F2B, s0  }
0xcf: {  	[sflag:s0] =	ssyncadd.remote.s32 $0x1  }
0xd0: {  	_ =	sfence.sel $0xFFFF  }
0xd1: {  	[dreg:$0x0] =	wrdreg $0xFFFFFFFF;
	(pc) =	sbr.abs _section_cstart, $3  }
0xd2: {  	[dreg:$0x1] =	wrdreg $0xFFFFFFFF  }
0xd3: {  	_ =	task.clear_ibuf [dreg:s15], $0x2FFFF;
	_ =	strace $0x9FFFFFFF  }
0xd4: {  	(tm) =	ssettm $0x7FFFFFFF  }
0xd5: {  	_ =	shalt  }
tec
execute0_lowered:
.L_overlay_start_1:
0x0: {  	(tag) =	ssettag $0x1  }
0x1: {  	s0 =	rddreg [dreg:$0x0]  }
0x2: {  	s4 =	rddreg [dreg:$0x4]  }
0x3: {  	s1 =	rddreg [dreg:$0x5];
	s9 =	simm.s32 $0x0  }
0x4: {  	s2 =	srdreg.scid;
	s11 =	stileid.u32;
	s15 =	simm.s32 $0x3900  }
0x5: {  	s16 =	simm.s32 $0x4100;
	s17 =	simm.s32 $0x4900;
	s14 =	simm.s32 $0x5100  }
0x6: {  	s29 =	simm.s32 $0x6100;
	s30 =	simm.s32 $0x9900;
	s28 =	simm.s32 $0xB900  }
0x7: {  	s31 =	simm.s32 $0x1;
	[smem:$0x7FF] =	sst s9;
	s2 =	sand.u32 $0x1, s2  }
0x8: {  	s3 =	sshll.u32 s11, $0x1;
	s20 =	sshrl.u32 s11, $0x2;
	s10 =	sshrl.u32 s11, $0x1  }
0x9: {  	s12 =	sadd.s32 $0x100, s4;
	s13 =	sadd.s32 $0x200, s4;
	p0 =	sgt.u32 s11, $0x5  }
0xa: {  	s26 =	sshll.u32 s11, $0x6;
	s11 =	simm.s32 $0x3100;
	s5 =	ssub.s32 $0x2, s2  }
0xb: {  	s2 =	sor.u32 s2, s3;
	s8 =	smul.u32 $0x180000, s20;
	_ =	strace $0x80000047  }
0xc: {  	s3 =	sshll.u32 s20, $0x4;
	p1 =	seq.s32 s10, $0x0;
	p2 =	seq.s32 s10, $0x2  }
0xd: {  	p3 =	sne.s32 s10, $0x1;
	s10 =	simm.s32 $0x2900;
	s20 =	simm.s32 $0xB100  }
0xe: {  	s6 =	sshrl.u32 s5, $0x1;
	s7 =	sand.u32 $0x7, s2;
	s2 =	sshll.u32 s2, $0x4  }
0xf: {  	s0 =	sadd.s32 s0, s3;
	s5 =	ssub.s32 s5, s6;
	s21 =	smul.u32 $0x30000, s7  }
0x10: {  	s7 =	sshll.u32 s7, $0x7;
	s2 =	sand.u32 $0x30, s2;
	s6 =	simm.s32 $0x8900  }
0x11: {  	[dreg:$0xa] =	wrdreg s2;
	s0 =	sadd.s32 s7, s0;
	s22 =	sadd.s32 s8, s21  }
0x12: {  	s18 =	smax.u32 s5, $0x1;
	s2 =	simm.s32 $0xC100;
	s23 =	sshrl.u32 s22, $0x3  }
0x13: {  	[dreg:$0xc] =	wrdreg s0;
	s21 =	simm.s32 $0x9100;
	s1 =	sadd.s32 s1, s23  }
.Ltmp0:
0x14: {  	s0 =	sadd.s32 $0x1800, s1;
	[dreg:$0x10] =	wrdreg s1;
	(pc) =	sbr.rel .LBB2_1-.Ltmp0, $4  }
0x15: {  	s22 =	simm.s32 $0x1900;
	s24 =	sadd.s32 $0x3000, s1;
	[dreg:$0xd] =	wrdreg s0  }
0x16: {  	v2 =	vlaneseq.u32;
	s23 =	simm.s32 $0x2100;
	s25 =	sadd.s32 $0x4800, s1;
	[dreg:$0xe] =	wrdreg s24  }
0x17: {  	vm0 =	vmmov $0xffff;
	v1 =	vshrl.u32 v2, $0x3;
	s1 =	simm.s32 $0x1;
	[dreg:$0xf] =	wrdreg s25;
	s0 =	sor.u32 $0x1C05, s26  }
0x18: {  	v0 =	vand.u32 $0x7, v2;
	v2 =	vor.u32 $0x8, v2;
	v1 =	vmul.u32 $0x8, v1;
	s26 =	simm.s32 $0x5900;
	s24 =	simm.s32 $0x7900;
	[dreg:$0xb] =	wrdreg s0  }
.LBB2_5:
0x19: {  	s3 =	rddreg [dreg:$0x8]  }
0x1a: {  	s8 =	rddreg [dreg:$0x3]  }
.LBB2_6:
0x1b: {  	s7 =	rddreg [dreg:$0xa]  }
0x1c: {  	s5 =	rddreg [dreg:$0xb]  }
0x1d: {  	s19 =	simm.s32 $0x40;
	s8 =	sadd.s32 s8, s7;
	s3 =	sadd.s32 s3, s7  }
0x1e: {  	[hbm:s3@s19], [sflag:s5] =	dma.strided [hbm:s8@s19], $0x100, s1, $0x10   }
.LBB2_7:
0x1f: {  	s3 =	simm.s32 $0x80  }
0x20: {  	s5 =	simm.s32 $0x200;
	s7 =	rddreg [dreg:$0xc];
	s0 =	simm.s32 $0x6  }
0x21: {  	[tilespmem:s9], [sflag:$0x6] =	stream.strided.gather [hbm4b:s7+s3], $0x100, s5, s3, $0x38;
	[tilespmem:$0x18100] =	vst v63  }
0x22: {  	_ =	swait.ge [sflag:s0], $0x100  }
0x23: {  	[sflag:s0] =	ssyncset.done $0x0  }
0x24: {  	[sflag:s0] =	ssyncadd.s32 $0xFFFFFF00  }
0x25: {  	v3 =	vld [tilespmem:$0x0];
	_ =	sdelay $0x4  }
0x26: {  	v4 =	vshrl.u32 v3, $0x3  }
0x27: {  	v4 =	vmul.u32 $0x30, v4  }
0x28: {  	v3 =	vand.u32 $0x7, v3  }
0x29: {  	v3 =	vor.u32 v3, v4  }
0x2a: {  	v4 =	vperm.xlane v3, v0;
	_ =	sdelay $0x1  }
0x2b: {  	v4 =	vadd.s32 v1, v4;
	_ =	sdelay $0x3  }
0x2c: {  	s0 =	simm.s32 $0x100;
	v3 =	vperm.xlane v3, v2  }
0x2d: {  	[tilespmem:s0], [sflag:$0x1] =	stream.indirect_vreg.gather [hbm4b:s4+s9], $0x80, v4, vm0, $0xb8;
	[tilespmem:$0x18100] =	vst v63  }
0x2e: {  	s3 =	simm.s32 $0x900;
	v3 =	vadd.s32 v1, v3  }
0x2f: {  	[tilespmem:s3], [sflag:$0x1] =	stream.indirect_vreg.gather [hbm4b:s12+s9], $0x80, v4, vm0, $0xb8;
	[tilespmem:$0x18100] =	vst v63  }
0x30: {  	s8 =	simm.s32 $0x1100  }
0x31: {  	[tilespmem:s8], [sflag:$0x1] =	stream.indirect_vreg.gather [hbm4b:s13+s9], $0x80, v4, vm0, $0xb8;
	[tilespmem:$0x18100] =	vst v63  }
0x32: {  	_ = 	snop  }
0x33: {  	[tilespmem:s22], [sflag:$0x1] =	stream.indirect_vreg.gather [hbm4b:s4+s9], $0x80, v3, vm0, $0xb8;
	[tilespmem:$0x18100] =	vst v63  }
0x34: {  	_ = 	snop  }
0x35: {  	[tilespmem:s23], [sflag:$0x1] =	stream.indirect_vreg.gather [hbm4b:s12+s9], $0x80, v3, vm0, $0xb8;
	[tilespmem:$0x18100] =	vst v63  }
0x36: {  	_ = 	snop  }
0x37: {  	[tilespmem:s10], [sflag:$0x1] =	stream.indirect_vreg.gather [hbm4b:s13+s9], $0x80, v3, vm0, $0xb8;
	[tilespmem:$0x18100] =	vst v63  }
0x38: {  	v3 =	vld [tilespmem:$0x10];
	_ =	sdelay $0x4  }
0x39: {  	v49 =	vshrl.u32 v3, $0x3  }
0x3a: {  	v4 =	vmul.u32 $0x30, v49  }
0x3b: {  	v3 =	vand.u32 $0x7, v3  }
0x3c: {  	v3 =	vor.u32 v3, v4  }
0x3d: {  	v4 =	vperm.xlane v3, v0;
	_ =	sdelay $0x1  }
0x3e: {  	v4 =	vadd.s32 v1, v4;
	_ =	sdelay $0x3  }
0x3f: {  	v3 =	vperm.xlane v3, v2  }
0x40: {  	[tilespmem:s11], [sflag:$0x1] =	stream.indirect_vreg.gather [hbm4b:s4+s9], $0x80, v4, vm0, $0xb8;
	[tilespmem:$0x18100] =	vst v63  }
0x41: {  	v3 =	vadd.s32 v1, v3  }
0x42: {  	[tilespmem:s15], [sflag:$0x1] =	stream.indirect_vreg.gather [hbm4b:s12+s9], $0x80, v4, vm0, $0xb8;
	[tilespmem:$0x18100] =	vst v63  }
0x43: {  	_ = 	snop  }
0x44: {  	[tilespmem:s16], [sflag:$0x1] =	stream.indirect_vreg.gather [hbm4b:s13+s9], $0x80, v4, vm0, $0xb8;
	[tilespmem:$0x18100] =	vst v63  }
0x45: {  	_ = 	snop  }
0x46: {  	[tilespmem:s17], [sflag:$0x1] =	stream.indirect_vreg.gather [hbm4b:s4+s9], $0x80, v3, vm0, $0xb8;
	[tilespmem:$0x18100] =	vst v63  }
0x47: {  	_ = 	snop  }
0x48: {  	[tilespmem:s14], [sflag:$0x1] =	stream.indirect_vreg.gather [hbm4b:s12+s9], $0x80, v3, vm0, $0xb8;
	[tilespmem:$0x18100] =	vst v63  }
0x49: {  	_ = 	snop  }
0x4a: {  	[tilespmem:s26], [sflag:$0x1] =	stream.indirect_vreg.gather [hbm4b:s13+s9], $0x80, v3, vm0, $0xb8;
	[tilespmem:$0x18100] =	vst v63  }
0x4b: {  	v3 =	vld [tilespmem:$0x20];
	_ =	sdelay $0x4  }
0x4c: {  	v50 =	vshrl.u32 v3, $0x3  }
0x4d: {  	v4 =	vmul.u32 $0x30, v50  }
0x4e: {  	v3 =	vand.u32 $0x7, v3  }
0x4f: {  	v3 =	vor.u32 v3, v4  }
0x50: {  	v4 =	vperm.xlane v3, v0;
	_ =	sdelay $0x1  }
0x51: {  	v4 =	vadd.s32 v1, v4;
	_ =	sdelay $0x3  }
0x52: {  	v3 =	vperm.xlane v3, v2  }
0x53: {  	[tilespmem:s29], [sflag:$0x1] =	stream.indirect_vreg.gather [hbm4b:s4+s9], $0x80, v4, vm0, $0xb8;
	[tilespmem:$0x18100] =	vst v63  }
0x54: {  	s5 =	simm.s32 $0x6900;
	v3 =	vadd.s32 v1, v3  }
0x55: {  	[tilespmem:s5], [sflag:$0x1] =	stream.indirect_vreg.gather [hbm4b:s12+s9], $0x80, v4, vm0, $0xb8;
	[tilespmem:$0x18100] =	vst v63  }
0x56: {  	s19 =	simm.s32 $0x7100  }
0x57: {  	[tilespmem:s19], [sflag:$0x1] =	stream.indirect_vreg.gather [hbm4b:s13+s9], $0x80, v4, vm0, $0xb8;
	[tilespmem:$0x18100] =	vst v63  }
0x58: {  	_ = 	snop  }
0x59: {  	[tilespmem:s24], [sflag:$0x1] =	stream.indirect_vreg.gather [hbm4b:s4+s9], $0x80, v3, vm0, $0xb8;
	[tilespmem:$0x18100] =	vst v63  }
0x5a: {  	s7 =	simm.s32 $0x8100  }
0x5b: {  	[tilespmem:s7], [sflag:$0x1] =	stream.indirect_vreg.gather [hbm4b:s12+s9], $0x80, v3, vm0, $0xb8;
	[tilespmem:$0x18100] =	vst v63  }
0x5c: {  	_ = 	snop  }
0x5d: {  	[tilespmem:s6], [sflag:$0x1] =	stream.indirect_vreg.gather [hbm4b:s13+s9], $0x80, v3, vm0, $0xb8;
	[tilespmem:$0x18100] =	vst v63  }
0x5e: {  	v3 =	vld [tilespmem:$0x30];
	_ =	sdelay $0x4  }
0x5f: {  	v51 =	vshrl.u32 v3, $0x3  }
0x60: {  	v4 =	vmul.u32 $0x30, v51  }
0x61: {  	v3 =	vand.u32 $0x7, v3  }
0x62: {  	v3 =	vor.u32 v3, v4  }
0x63: {  	v4 =	vperm.xlane v3, v0;
	_ =	sdelay $0x1  }
0x64: {  	v4 =	vadd.s32 v1, v4;
	_ =	sdelay $0x3  }
0x65: {  	v3 =	vperm.xlane v3, v2  }
0x66: {  	[tilespmem:s21], [sflag:$0x1] =	stream.indirect_vreg.gather [hbm4b:s4+s9], $0x80, v4, vm0, $0xb8;
	[tilespmem:$0x18100] =	vst v63  }
0x67: {  	v3 =	vadd.s32 v1, v3  }
0x68: {  	[tilespmem:s30], [sflag:$0x1] =	stream.indirect_vreg.gather [hbm4b:s12+s9], $0x80, v4, vm0, $0xb8;
	[tilespmem:$0x18100] =	vst v63  }
0x69: {  	s1 =	simm.s32 $0xA100  }
0x6a: {  	[tilespmem:s1], [sflag:$0x1] =	stream.indirect_vreg.gather [hbm4b:s13+s9], $0x80, v4, vm0, $0xb8;
	[tilespmem:$0x18100] =	vst v63  }
0x6b: {  	s1 =	simm.s32 $0xA900  }
0x6c: {  	[tilespmem:s1], [sflag:$0x1] =	stream.indirect_vreg.gather [hbm4b:s4+s9], $0x80, v3, vm0, $0xb8;
	[tilespmem:$0x18100] =	vst v63  }
0x6d: {  	_ = 	snop  }
0x6e: {  	[tilespmem:s20], [sflag:$0x1] =	stream.indirect_vreg.gather [hbm4b:s12+s9], $0x80, v3, vm0, $0xb8;
	[tilespmem:$0x18100] =	vst v63  }
0x6f: {  	_ = 	snop  }
0x70: {  	[tilespmem:s28], [sflag:$0x1] =	stream.indirect_vreg.gather [hbm4b:s13+s9], $0x80, v3, vm0, $0xb8;
	[tilespmem:$0x18100] =	vst v63  }
0x71: {  	v3 =	vld [tilespmem:$0x40];
	_ =	sdelay $0x4  }
0x72: {  	v52 =	vshrl.u32 v3, $0x3  }
0x73: {  	v4 =	vmul.u32 $0x30, v52  }
0x74: {  	v3 =	vand.u32 $0x7, v3  }
0x75: {  	v3 =	vor.u32 v3, v4  }
0x76: {  	v4 =	vperm.xlane v3, v0;
	_ =	sdelay $0x1  }
0x77: {  	v4 =	vadd.s32 v1, v4;
	_ =	sdelay $0x3  }
0x78: {  	v3 =	vperm.xlane v3, v2  }
0x79: {  	[tilespmem:s2], [sflag:$0x2] =	stream.indirect_vreg.gather [hbm4b:s4+s9], $0x80, v4, vm0, $0xb8;
	[tilespmem:$0x18100] =	vst v63  }
0x7a: {  	s25 =	simm.s32 $0xC900;
	v3 =	vadd.s32 v1, v3  }
0x7b: {  	[tilespmem:s25], [sflag:$0x2] =	stream.indirect_vreg.gather [hbm4b:s12+s9], $0x80, v4, vm0, $0xb8;
	[tilespmem:$0x18100] =	vst v63  }
0x7c: {  	s25 =	simm.s32 $0xD100  }
0x7d: {  	[tilespmem:s25], [sflag:$0x2] =	stream.indirect_vreg.gather [hbm4b:s13+s9], $0x80, v4, vm0, $0xb8;
	[tilespmem:$0x18100] =	vst v63  }
0x7e: {  	s25 =	simm.s32 $0xD900  }
0x7f: {  	[tilespmem:s25], [sflag:$0x2] =	stream.indirect_vreg.gather [hbm4b:s4+s9], $0x80, v3, vm0, $0xb8;
	[tilespmem:$0x18100] =	vst v63  }
0x80: {  	s25 =	simm.s32 $0xE100  }
0x81: {  	[tilespmem:s25], [sflag:$0x2] =	stream.indirect_vreg.gather [hbm4b:s12+s9], $0x80, v3, vm0, $0xb8;
	[tilespmem:$0x18100] =	vst v63  }
0x82: {  	s25 =	simm.s32 $0xE900  }
0x83: {  	[tilespmem:s25], [sflag:$0x2] =	stream.indirect_vreg.gather [hbm4b:s13+s9], $0x80, v3, vm0, $0xb8;
	[tilespmem:$0x18100] =	vst v63  }
0x84: {  	v3 =	vld [tilespmem:$0x50];
	_ =	sdelay $0x4  }
0x85: {  	v53 =	vshrl.u32 v3, $0x3  }
0x86: {  	v4 =	vmul.u32 $0x30, v53  }
0x87: {  	v3 =	vand.u32 $0x7, v3  }
0x88: {  	v3 =	vor.u32 v3, v4  }
0x89: {  	v4 =	vperm.xlane v3, v0;
	_ =	sdelay $0x1  }
0x8a: {  	v4 =	vadd.s32 v1, v4;
	_ =	sdelay $0x3  }
0x8b: {  	s25 =	simm.s32 $0xF100;
	v3 =	vperm.xlane v3, v2  }
0x8c: {  	[tilespmem:s25], [sflag:$0x2] =	stream.indirect_vreg.gather [hbm4b:s4+s9], $0x80, v4, vm0, $0xb8;
	[tilespmem:$0x18100] =	vst v63  }
0x8d: {  	v3 =	vadd.s32 v1, v3;
	s25 =	simm.s32 $0xF900  }
0x8e: {  	[tilespmem:s25], [sflag:$0x2] =	stream.indirect_vreg.gather [hbm4b:s12+s9], $0x80, v4, vm0, $0xb8;
	[tilespmem:$0x18100] =	vst v63  }
0x8f: {  	s25 =	simm.s32 $0x10100  }
0x90: {  	[tilespmem:s25], [sflag:$0x2] =	stream.indirect_vreg.gather [hbm4b:s13+s9], $0x80, v4, vm0, $0xb8;
	[tilespmem:$0x18100] =	vst v63  }
0x91: {  	s25 =	simm.s32 $0x10900  }
0x92: {  	[tilespmem:s25], [sflag:$0x2] =	stream.indirect_vreg.gather [hbm4b:s4+s9], $0x80, v3, vm0, $0xb8;
	[tilespmem:$0x18100] =	vst v63  }
0x93: {  	s25 =	simm.s32 $0x11100  }
0x94: {  	[tilespmem:s25], [sflag:$0x2] =	stream.indirect_vreg.gather [hbm4b:s12+s9], $0x80, v3, vm0, $0xb8;
	[tilespmem:$0x18100] =	vst v63  }
0x95: {  	s25 =	simm.s32 $0x11900  }
0x96: {  	[tilespmem:s25], [sflag:$0x2] =	stream.indirect_vreg.gather [hbm4b:s13+s9], $0x80, v3, vm0, $0xb8;
	[tilespmem:$0x18100] =	vst v63  }
0x97: {  	v3 =	vld [tilespmem:$0x60];
	_ =	sdelay $0x4  }
0x98: {  	v54 =	vshrl.u32 v3, $0x3  }
0x99: {  	v4 =	vmul.u32 $0x30, v54  }
0x9a: {  	v3 =	vand.u32 $0x7, v3  }
0x9b: {  	v3 =	vor.u32 v3, v4  }
0x9c: {  	v4 =	vperm.xlane v3, v0;
	_ =	sdelay $0x1  }
0x9d: {  	v4 =	vadd.s32 v1, v4;
	_ =	sdelay $0x3  }
0x9e: {  	s25 =	simm.s32 $0x12100;
	v3 =	vperm.xlane v3, v2  }
0x9f: {  	[tilespmem:s25], [sflag:$0x2] =	stream.indirect_vreg.gather [hbm4b:s4+s9], $0x80, v4, vm0, $0xb8;
	[tilespmem:$0x18100] =	vst v63  }
0xa0: {  	v3 =	vadd.s32 v1, v3;
	s25 =	simm.s32 $0x12900  }
0xa1: {  	[tilespmem:s25], [sflag:$0x2] =	stream.indirect_vreg.gather [hbm4b:s12+s9], $0x80, v4, vm0, $0xb8;
	[tilespmem:$0x18100] =	vst v63  }
0xa2: {  	s25 =	simm.s32 $0x13100  }
0xa3: {  	[tilespmem:s25], [sflag:$0x2] =	stream.indirect_vreg.gather [hbm4b:s13+s9], $0x80, v4, vm0, $0xb8;
	[tilespmem:$0x18100] =	vst v63  }
0xa4: {  	s25 =	simm.s32 $0x13900  }
0xa5: {  	[tilespmem:s25], [sflag:$0x2] =	stream.indirect_vreg.gather [hbm4b:s4+s9], $0x80, v3, vm0, $0xb8;
	[tilespmem:$0x18100] =	vst v63  }
0xa6: {  	s25 =	simm.s32 $0x14100  }
0xa7: {  	[tilespmem:s25], [sflag:$0x2] =	stream.indirect_vreg.gather [hbm4b:s12+s9], $0x80, v3, vm0, $0xb8;
	[tilespmem:$0x18100] =	vst v63  }
0xa8: {  	s25 =	simm.s32 $0x14900  }
0xa9: {  	[tilespmem:s25], [sflag:$0x2] =	stream.indirect_vreg.gather [hbm4b:s13+s9], $0x80, v3, vm0, $0xb8;
	[tilespmem:$0x18100] =	vst v63  }
0xaa: {  	v3 =	vld [tilespmem:$0x70];
	_ =	sdelay $0x4  }
0xab: {  	v55 =	vshrl.u32 v3, $0x3  }
0xac: {  	v4 =	vmul.u32 $0x30, v55  }
0xad: {  	v3 =	vand.u32 $0x7, v3  }
0xae: {  	v3 =	vor.u32 v3, v4  }
0xaf: {  	v4 =	vperm.xlane v3, v0;
	_ =	sdelay $0x1  }
0xb0: {  	v4 =	vadd.s32 v1, v4;
	_ =	sdelay $0x3  }
0xb1: {  	s25 =	simm.s32 $0x15100;
	v3 =	vperm.xlane v3, v2  }
0xb2: {  	[tilespmem:s25], [sflag:$0x2] =	stream.indirect_vreg.gather [hbm4b:s4+s9], $0x80, v4, vm0, $0xb8;
	[tilespmem:$0x18100] =	vst v63  }
0xb3: {  	v3 =	vadd.s32 v1, v3;
	s25 =	simm.s32 $0x15900  }
0xb4: {  	[tilespmem:s25], [sflag:$0x2] =	stream.indirect_vreg.gather [hbm4b:s12+s9], $0x80, v4, vm0, $0xb8;
	[tilespmem:$0x18100] =	vst v63  }
0xb5: {  	s25 =	simm.s32 $0x16100  }
0xb6: {  	[tilespmem:s25], [sflag:$0x2] =	stream.indirect_vreg.gather [hbm4b:s13+s9], $0x80, v4, vm0, $0xb8;
	[tilespmem:$0x18100] =	vst v63  }
0xb7: {  	s25 =	simm.s32 $0x16900  }
0xb8: {  	[tilespmem:s25], [sflag:$0x2] =	stream.indirect_vreg.gather [hbm4b:s4+s9], $0x80, v3, vm0, $0xb8;
	[tilespmem:$0x18100] =	vst v63  }
0xb9: {  	s25 =	simm.s32 $0x17100  }
0xba: {  	[tilespmem:s25], [sflag:$0x2] =	stream.indirect_vreg.gather [hbm4b:s12+s9], $0x80, v3, vm0, $0xb8;
	[tilespmem:$0x18100] =	vst v63  }
0xbb: {  	s25 =	simm.s32 $0x17900  }
0xbc: {  	[tilespmem:s25], [sflag:$0x2] =	stream.indirect_vreg.gather [hbm4b:s13+s9], $0x80, v3, vm0, $0xb8;
	[tilespmem:$0x18100] =	vst v63  }
0xbd: {  	_ =	swait.ge [sflag:s31], $0xC000  }
0xbe: {  	[sflag:s31] =	ssyncset.done $0x0  }
0xbf: {  	s0 =	simm.s32 $0x100;
	s25 =	rddreg [dreg:$0x10];
	[sflag:s31] =	ssyncadd.s32 $0xFFFF4000  }
0xc0: {  	[hbm4b:s25+s9] =	stream.linear.scatter [tilespmem:s0], [sflag:$0x3], $0xC000, $0x38;
	[tilespmem:$0x18100] =	vst v63  }
0xc1: {  	s25 =	simm.s32 $0x3  }
0xc2: {  	_ =	swait.ge [sflag:s25], $0xC000  }
0xc3: {  	[sflag:s25] =	ssyncset.done $0x0  }
0xc4: {  	[sflag:s25] =	ssyncadd.s32 $0xFFFF4000  }
0xc5: {  	v3 =	vld [tilespmem:$0x80];
	_ =	sdelay $0x4  }
0xc6: {  	v56 =	vshrl.u32 v3, $0x3  }
0xc7: {  	v4 =	vmul.u32 $0x30, v56  }
0xc8: {  	v3 =	vand.u32 $0x7, v3  }
0xc9: {  	v3 =	vor.u32 v3, v4  }
0xca: {  	v4 =	vperm.xlane v3, v0;
	_ =	sdelay $0x1  }
0xcb: {  	v4 =	vadd.s32 v1, v4;
	_ =	sdelay $0x3  }
0xcc: {  	v3 =	vperm.xlane v3, v2  }
0xcd: {  	[tilespmem:s0], [sflag:$0x1] =	stream.indirect_vreg.gather [hbm4b:s4+s9], $0x80, v4, vm0, $0xb8;
	[tilespmem:$0x18100] =	vst v63  }
0xce: {  	v3 =	vadd.s32 v1, v3  }
0xcf: {  	[tilespmem:s3], [sflag:$0x1] =	stream.indirect_vreg.gather [hbm4b:s12+s9], $0x80, v4, vm0, $0xb8;
	[tilespmem:$0x18100] =	vst v63  }
0xd0: {  	_ = 	snop  }
0xd1: {  	[tilespmem:s8], [sflag:$0x1] =	stream.indirect_vreg.gather [hbm4b:s13+s9], $0x80, v4, vm0, $0xb8;
	[tilespmem:$0x18100] =	vst v63  }
0xd2: {  	_ = 	snop  }
0xd3: {  	[tilespmem:s22], [sflag:$0x1] =	stream.indirect_vreg.gather [hbm4b:s4+s9], $0x80, v3, vm0, $0xb8;
	[tilespmem:$0x18100] =	vst v63  }
0xd4: {  	_ = 	snop  }
0xd5: {  	[tilespmem:s23], [sflag:$0x1] =	stream.indirect_vreg.gather [hbm4b:s12+s9], $0x80, v3, vm0, $0xb8;
	[tilespmem:$0x18100] =	vst v63  }
0xd6: {  	_ = 	snop  }
0xd7: {  	[tilespmem:s10], [sflag:$0x1] =	stream.indirect_vreg.gather [hbm4b:s13+s9], $0x80, v3, vm0, $0xb8;
	[tilespmem:$0x18100] =	vst v63  }
0xd8: {  	v3 =	vld [tilespmem:$0x90];
	_ =	sdelay $0x4  }
0xd9: {  	v57 =	vshrl.u32 v3, $0x3  }
0xda: {  	v4 =	vmul.u32 $0x30, v57  }
0xdb: {  	v3 =	vand.u32 $0x7, v3  }
0xdc: {  	v3 =	vor.u32 v3, v4  }
0xdd: {  	v4 =	vperm.xlane v3, v0;
	_ =	sdelay $0x1  }
0xde: {  	v4 =	vadd.s32 v1, v4;
	_ =	sdelay $0x3  }
0xdf: {  	v3 =	vperm.xlane v3, v2  }
0xe0: {  	[tilespmem:s11], [sflag:$0x1] =	stream.indirect_vreg.gather [hbm4b:s4+s9], $0x80, v4, vm0, $0xb8;
	[tilespmem:$0x18100] =	vst v63  }
0xe1: {  	v3 =	vadd.s32 v1, v3  }
0xe2: {  	[tilespmem:s15], [sflag:$0x1] =	stream.indirect_vreg.gather [hbm4b:s12+s9], $0x80, v4, vm0, $0xb8;
	[tilespmem:$0x18100] =	vst v63  }
0xe3: {  	_ = 	snop  }
0xe4: {  	[tilespmem:s16], [sflag:$0x1] =	stream.indirect_vreg.gather [hbm4b:s13+s9], $0x80, v4, vm0, $0xb8;
	[tilespmem:$0x18100] =	vst v63  }
0xe5: {  	_ = 	snop  }
0xe6: {  	[tilespmem:s17], [sflag:$0x1] =	stream.indirect_vreg.gather [hbm4b:s4+s9], $0x80, v3, vm0, $0xb8;
	[tilespmem:$0x18100] =	vst v63  }
0xe7: {  	_ = 	snop  }
0xe8: {  	[tilespmem:s14], [sflag:$0x1] =	stream.indirect_vreg.gather [hbm4b:s12+s9], $0x80, v3, vm0, $0xb8;
	[tilespmem:$0x18100] =	vst v63  }
0xe9: {  	_ = 	snop  }
0xea: {  	[tilespmem:s26], [sflag:$0x1] =	stream.indirect_vreg.gather [hbm4b:s13+s9], $0x80, v3, vm0, $0xb8;
	[tilespmem:$0x18100] =	vst v63  }
0xeb: {  	v3 =	vld [tilespmem:$0xA0];
	_ =	sdelay $0x4  }
0xec: {  	v58 =	vshrl.u32 v3, $0x3  }
0xed: {  	v4 =	vmul.u32 $0x30, v58  }
0xee: {  	v3 =	vand.u32 $0x7, v3  }
0xef: {  	v3 =	vor.u32 v3, v4  }
0xf0: {  	v4 =	vperm.xlane v3, v0;
	_ =	sdelay $0x1  }
0xf1: {  	v4 =	vadd.s32 v1, v4;
	_ =	sdelay $0x3  }
0xf2: {  	v3 =	vperm.xlane v3, v2  }
0xf3: {  	[tilespmem:s29], [sflag:$0x1] =	stream.indirect_vreg.gather [hbm4b:s4+s9], $0x80, v4, vm0, $0xb8;
	[tilespmem:$0x18100] =	vst v63  }
0xf4: {  	v3 =	vadd.s32 v1, v3  }
0xf5: {  	[tilespmem:s5], [sflag:$0x1] =	stream.indirect_vreg.gather [hbm4b:s12+s9], $0x80, v4, vm0, $0xb8;
	[tilespmem:$0x18100] =	vst v63  }
0xf6: {  	_ = 	snop  }
0xf7: {  	[tilespmem:s19], [sflag:$0x1] =	stream.indirect_vreg.gather [hbm4b:s13+s9], $0x80, v4, vm0, $0xb8;
	[tilespmem:$0x18100] =	vst v63  }
0xf8: {  	_ = 	snop  }
0xf9: {  	[tilespmem:s24], [sflag:$0x1] =	stream.indirect_vreg.gather [hbm4b:s4+s9], $0x80, v3, vm0, $0xb8;
	[tilespmem:$0x18100] =	vst v63  }
0xfa: {  	_ = 	snop  }
0xfb: {  	[tilespmem:s7], [sflag:$0x1] =	stream.indirect_vreg.gather [hbm4b:s12+s9], $0x80, v3, vm0, $0xb8;
	[tilespmem:$0x18100] =	vst v63  }
0xfc: {  	_ = 	snop  }
0xfd: {  	[tilespmem:s6], [sflag:$0x1] =	stream.indirect_vreg.gather [hbm4b:s13+s9], $0x80, v3, vm0, $0xb8;
	[tilespmem:$0x18100] =	vst v63  }
0xfe: {  	v3 =	vld [tilespmem:$0xB0];
	_ =	sdelay $0x4  }
0xff: {  	v59 =	vshrl.u32 v3, $0x3  }
0x100: {  	v4 =	vmul.u32 $0x30, v59  }
0x101: {  	v3 =	vand.u32 $0x7, v3  }
0x102: {  	v3 =	vor.u32 v3, v4  }
0x103: {  	v4 =	vperm.xlane v3, v0;
	_ =	sdelay $0x1  }
0x104: {  	v4 =	vadd.s32 v1, v4;
	_ =	sdelay $0x3  }
0x105: {  	v3 =	vperm.xlane v3, v2  }
0x106: {  	[tilespmem:s21], [sflag:$0x1] =	stream.indirect_vreg.gather [hbm4b:s4+s9], $0x80, v4, vm0, $0xb8;
	[tilespmem:$0x18100] =	vst v63  }
0x107: {  	v3 =	vadd.s32 v1, v3  }
0x108: {  	[tilespmem:s30], [sflag:$0x1] =	stream.indirect_vreg.gather [hbm4b:s12+s9], $0x80, v4, vm0, $0xb8;
	[tilespmem:$0x18100] =	vst v63  }
0x109: {  	s19 =	simm.s32 $0xA100  }
0x10a: {  	[tilespmem:s19], [sflag:$0x1] =	stream.indirect_vreg.gather [hbm4b:s13+s9], $0x80, v4, vm0, $0xb8;
	[tilespmem:$0x18100] =	vst v63  }
0x10b: {  	_ = 	snop  }
0x10c: {  	[tilespmem:s1], [sflag:$0x1] =	stream.indirect_vreg.gather [hbm4b:s4+s9], $0x80, v3, vm0, $0xb8;
	[tilespmem:$0x18100] =	vst v63  }
0x10d: {  	_ = 	snop  }
0x10e: {  	[tilespmem:s20], [sflag:$0x1] =	stream.indirect_vreg.gather [hbm4b:s12+s9], $0x80, v3, vm0, $0xb8;
	[tilespmem:$0x18100] =	vst v63  }
0x10f: {  	s0 =	simm.s32 $0x2  }
0x110: {  	[tilespmem:s28], [sflag:$0x1] =	stream.indirect_vreg.gather [hbm4b:s13+s9], $0x80, v3, vm0, $0xb8;
	[tilespmem:$0x18100] =	vst v63  }
0x111: {  	_ =	swait.ge [sflag:s0], $0xC000  }
0x112: {  	[sflag:s0] =	ssyncset.done $0x0  }
0x113: {  	s5 =	simm.s32 $0x4;
	s1 =	rddreg [dreg:$0xd];
	[sflag:s0] =	ssyncadd.s32 $0xFFFF4000  }
0x114: {  	[hbm4b:s1+s9] =	stream.linear.scatter [tilespmem:s2], [sflag:$0x4], $0xC000, $0x38;
	[tilespmem:$0x18100] =	vst v63  }
0x115: {  	_ =	swait.ge [sflag:s5], $0xC000  }
0x116: {  	[sflag:s5] =	ssyncset.done $0x0  }
0x117: {  	[sflag:s5] =	ssyncadd.s32 $0xFFFF4000  }
0x118: {  	v3 =	vld [tilespmem:$0xC0];
	_ =	sdelay $0x4  }
0x119: {  	v60 =	vshrl.u32 v3, $0x3  }
0x11a: {  	v4 =	vmul.u32 $0x30, v60  }
0x11b: {  	v3 =	vand.u32 $0x7, v3  }
0x11c: {  	v3 =	vor.u32 v3, v4  }
0x11d: {  	v4 =	vperm.xlane v3, v0;
	_ =	sdelay $0x1  }
0x11e: {  	v4 =	vadd.s32 v1, v4;
	_ =	sdelay $0x3  }
0x11f: {  	v3 =	vperm.xlane v3, v2  }
0x120: {  	[tilespmem:s2], [sflag:$0x2] =	stream.indirect_vreg.gather [hbm4b:s4+s9], $0x80, v4, vm0, $0xb8;
	[tilespmem:$0x18100] =	vst v63  }
0x121: {  	s3 =	simm.s32 $0xC900;
	v3 =	vadd.s32 v1, v3  }
0x122: {  	[tilespmem:s3], [sflag:$0x2] =	stream.indirect_vreg.gather [hbm4b:s12+s9], $0x80, v4, vm0, $0xb8;
	[tilespmem:$0x18100] =	vst v63  }
0x123: {  	s7 =	simm.s32 $0xD100  }
0x124: {  	[tilespmem:s7], [sflag:$0x2] =	stream.indirect_vreg.gather [hbm4b:s13+s9], $0x80, v4, vm0, $0xb8;
	[tilespmem:$0x18100] =	vst v63  }
0x125: {  	s8 =	simm.s32 $0xD900  }
0x126: {  	[tilespmem:s8], [sflag:$0x2] =	stream.indirect_vreg.gather [hbm4b:s4+s9], $0x80, v3, vm0, $0xb8;
	[tilespmem:$0x18100] =	vst v63  }
0x127: {  	s19 =	simm.s32 $0xE100  }
0x128: {  	[tilespmem:s19], [sflag:$0x2] =	stream.indirect_vreg.gather [hbm4b:s12+s9], $0x80, v3, vm0, $0xb8;
	[tilespmem:$0x18100] =	vst v63  }
0x129: {  	s3 =	simm.s32 $0xE900  }
0x12a: {  	[tilespmem:s3], [sflag:$0x2] =	stream.indirect_vreg.gather [hbm4b:s13+s9], $0x80, v3, vm0, $0xb8;
	[tilespmem:$0x18100] =	vst v63  }
0x12b: {  	v3 =	vld [tilespmem:$0xD0];
	_ =	sdelay $0x4  }
0x12c: {  	v61 =	vshrl.u32 v3, $0x3  }
0x12d: {  	v4 =	vmul.u32 $0x30, v61  }
0x12e: {  	v3 =	vand.u32 $0x7, v3  }
0x12f: {  	v3 =	vor.u32 v3, v4  }
0x130: {  	v4 =	vperm.xlane v3, v0;
	_ =	sdelay $0x1  }
0x131: {  	v4 =	vadd.s32 v1, v4;
	_ =	sdelay $0x3  }
0x132: {  	s7 =	simm.s32 $0xF100;
	v3 =	vperm.xlane v3, v2  }
0x133: {  	[tilespmem:s7], [sflag:$0x2] =	stream.indirect_vreg.gather [hbm4b:s4+s9], $0x80, v4, vm0, $0xb8;
	[tilespmem:$0x18100] =	vst v63  }
0x134: {  	s8 =	simm.s32 $0xF900;
	v3 =	vadd.s32 v1, v3  }
0x135: {  	[tilespmem:s8], [sflag:$0x2] =	stream.indirect_vreg.gather [hbm4b:s12+s9], $0x80, v4, vm0, $0xb8;
	[tilespmem:$0x18100] =	vst v63  }
0x136: {  	s19 =	simm.s32 $0x10100  }
0x137: {  	[tilespmem:s19], [sflag:$0x2] =	stream.indirect_vreg.gather [hbm4b:s13+s9], $0x80, v4, vm0, $0xb8;
	[tilespmem:$0x18100] =	vst v63  }
0x138: {  	s3 =	simm.s32 $0x10900  }
0x139: {  	[tilespmem:s3], [sflag:$0x2] =	stream.indirect_vreg.gather [hbm4b:s4+s9], $0x80, v3, vm0, $0xb8;
	[tilespmem:$0x18100] =	vst v63  }
0x13a: {  	s7 =	simm.s32 $0x11100  }
0x13b: {  	[tilespmem:s7], [sflag:$0x2] =	stream.indirect_vreg.gather [hbm4b:s12+s9], $0x80, v3, vm0, $0xb8;
	[tilespmem:$0x18100] =	vst v63  }
0x13c: {  	s8 =	simm.s32 $0x11900  }
0x13d: {  	[tilespmem:s8], [sflag:$0x2] =	stream.indirect_vreg.gather [hbm4b:s13+s9], $0x80, v3, vm0, $0xb8;
	[tilespmem:$0x18100] =	vst v63  }
0x13e: {  	v3 =	vld [tilespmem:$0xE0];
	_ =	sdelay $0x4  }
0x13f: {  	v62 =	vshrl.u32 v3, $0x3  }
0x140: {  	v4 =	vmul.u32 $0x30, v62  }
0x141: {  	v3 =	vand.u32 $0x7, v3  }
0x142: {  	v3 =	vor.u32 v3, v4  }
0x143: {  	v4 =	vperm.xlane v3, v0;
	_ =	sdelay $0x1  }
0x144: {  	v4 =	vadd.s32 v1, v4;
	_ =	sdelay $0x3  }
0x145: {  	s19 =	simm.s32 $0x12100;
	v3 =	vperm.xlane v3, v2  }
0x146: {  	[tilespmem:s19], [sflag:$0x2] =	stream.indirect_vreg.gather [hbm4b:s4+s9], $0x80, v4, vm0, $0xb8;
	[tilespmem:$0x18100] =	vst v63  }
0x147: {  	s3 =	simm.s32 $0x12900;
	v3 =	vadd.s32 v1, v3  }
0x148: {  	[tilespmem:s3], [sflag:$0x2] =	stream.indirect_vreg.gather [hbm4b:s12+s9], $0x80, v4, vm0, $0xb8;
	[tilespmem:$0x18100] =	vst v63  }
0x149: {  	s7 =	simm.s32 $0x13100  }
0x14a: {  	[tilespmem:s7], [sflag:$0x2] =	stream.indirect_vreg.gather [hbm4b:s13+s9], $0x80, v4, vm0, $0xb8;
	[tilespmem:$0x18100] =	vst v63  }
0x14b: {  	s8 =	simm.s32 $0x13900  }
0x14c: {  	[tilespmem:s8], [sflag:$0x2] =	stream.indirect_vreg.gather [hbm4b:s4+s9], $0x80, v3, vm0, $0xb8;
	[tilespmem:$0x18100] =	vst v63  }
0x14d: {  	s19 =	simm.s32 $0x14100  }
0x14e: {  	[tilespmem:s19], [sflag:$0x2] =	stream.indirect_vreg.gather [hbm4b:s12+s9], $0x80, v3, vm0, $0xb8;
	[tilespmem:$0x18100] =	vst v63  }
0x14f: {  	s3 =	simm.s32 $0x14900  }
0x150: {  	[tilespmem:s3], [sflag:$0x2] =	stream.indirect_vreg.gather [hbm4b:s13+s9], $0x80, v3, vm0, $0xb8;
	[tilespmem:$0x18100] =	vst v63  }
0x151: {  	v3 =	vld [tilespmem:$0xF0];
	_ =	sdelay $0x4  }
0x152: {  	v63 =	vshrl.u32 v3, $0x3  }
0x153: {  	v4 =	vmul.u32 $0x30, v63  }
0x154: {  	v3 =	vand.u32 $0x7, v3  }
0x155: {  	v3 =	vor.u32 v3, v4  }
0x156: {  	v4 =	vperm.xlane v3, v0;
	_ =	sdelay $0x1  }
0x157: {  	v4 =	vadd.s32 v1, v4;
	_ =	sdelay $0x3  }
0x158: {  	s7 =	simm.s32 $0x15100;
	v3 =	vperm.xlane v3, v2  }
0x159: {  	[tilespmem:s7], [sflag:$0x2] =	stream.indirect_vreg.gather [hbm4b:s4+s9], $0x80, v4, vm0, $0xb8;
	[tilespmem:$0x18100] =	vst v63  }
0x15a: {  	s8 =	simm.s32 $0x15900;
	v3 =	vadd.s32 v1, v3  }
0x15b: {  	[tilespmem:s8], [sflag:$0x2] =	stream.indirect_vreg.gather [hbm4b:s12+s9], $0x80, v4, vm0, $0xb8;
	[tilespmem:$0x18100] =	vst v63  }
0x15c: {  	s19 =	simm.s32 $0x16100  }
0x15d: {  	[tilespmem:s19], [sflag:$0x2] =	stream.indirect_vreg.gather [hbm4b:s13+s9], $0x80, v4, vm0, $0xb8;
	[tilespmem:$0x18100] =	vst v63  }
0x15e: {  	s3 =	simm.s32 $0x16900  }
0x15f: {  	[tilespmem:s3], [sflag:$0x2] =	stream.indirect_vreg.gather [hbm4b:s4+s9], $0x80, v3, vm0, $0xb8;
	[tilespmem:$0x18100] =	vst v63  }
0x160: {  	s7 =	simm.s32 $0x17100  }
0x161: {  	[tilespmem:s7], [sflag:$0x2] =	stream.indirect_vreg.gather [hbm4b:s12+s9], $0x80, v3, vm0, $0xb8;
	[tilespmem:$0x18100] =	vst v63  }
0x162: {  	s8 =	simm.s32 $0x17900  }
0x163: {  	[tilespmem:s8], [sflag:$0x2] =	stream.indirect_vreg.gather [hbm4b:s13+s9], $0x80, v3, vm0, $0xb8;
	[tilespmem:$0x18100] =	vst v63  }
0x164: {  	_ =	swait.ge [sflag:s31], $0xC000  }
0x165: {  	[sflag:s31] =	ssyncset.done $0x0  }
0x166: {  	s25 =	simm.s32 $0x100;
	s19 =	rddreg [dreg:$0xe];
	[sflag:s31] =	ssyncadd.s32 $0xFFFF4000  }
0x167: {  	[hbm4b:s19+s9] =	stream.linear.scatter [tilespmem:s25], [sflag:$0x3], $0xC000, $0x38;
	[tilespmem:$0x18100] =	vst v63  }
0x168: {  	_ =	swait.ge [sflag:s0], $0xC000  }
0x169: {  	[sflag:s0] =	ssyncset.done $0x0  }
0x16a: {  	s18 =	sadd.s32 $0xFFFFFFFF, s18;
	s25 =	rddreg [dreg:$0xf];
	[sflag:s0] =	ssyncadd.s32 $0xFFFF4000  }
0x16b: {  	[hbm4b:s25+s9] =	stream.linear.scatter [tilespmem:s2], [sflag:$0x4], $0xC000, $0x38;
	[tilespmem:$0x18100] =	vst v63  }
0x16c: {  	p4 =	sne.s32 s18, $0x0;
	_ =	swait.ge [sflag:s5], $0xC000  }
.Ltmp1:
0x16d: {  	[sflag:s5] =	ssyncset.done $0x0;
	(pc) =	sbr.rel @!p4 .LBB2_8-.Ltmp1, $4  }
0x16e: {  	s3 =	simm.s32 @!p0 $0x5;
	[sflag:s5] =	ssyncadd.s32 $0xFFFF4000  }
0x16f: {  	_ =	swait.ge @!p0 [sflag:s3], $0x100  }
0x170: {  	[sflag:s3] =	ssyncset.done @!p0 $0x0  }
0x171: {  	s1 =	simm.s32 $0x1;
	[sflag:s3] =	ssyncadd.s32 @!p0 $0xFFFFFF00  }
.LBB2_1:
.Ltmp2:
0x172: {  	(pc) =	sbr.rel @p0 .LBB2_7-.Ltmp2, $1  }
0x173: {  	_ =	sdelay $0x3  }
.Ltmp3:
0x174: {  	(pc) =	sbr.rel @p1 .LBB2_6-.Ltmp3, $3  }
0x175: {  	_ =	sdelay $0x1  }
0x176: {  	s3 =	rddreg [dreg:$0x6]  }
0x177: {  	s8 =	rddreg [dreg:$0x1]  }
.Ltmp4:
0x178: {  	(pc) =	sbr.rel @p2 .LBB2_5-.Ltmp4, $1  }
0x179: {  	_ =	sdelay $0x3  }
.Ltmp5:
0x17a: {  	(pc) =	sbr.rel @p3 .LBB2_7-.Ltmp5, $4  }
.Ltmp6:
0x17b: {  	(pc) =	sbr.rel @!p3 .LBB2_6-.Ltmp6, $4  }
0x17c: {  	_ = 	snop  }
0x17d: {  	s3 =	rddreg [dreg:$0x7]  }
0x17e: {  	s8 =	rddreg [dreg:$0x2]  }
0x17f: {  	_ = 	snop  }
.LBB2_8:
0x180: {  	_ =	sfence.sel $0x180000  }
0x181: {  	[bflag:$0x0] =	sbarrier.arrive $0xFFFF  }
0x182: {  	_ =	strace $0x90000047  }
0x183: {  	s0 =	stileid.u32;
	[bflag:$0x2] =	sbarrier.arrive $0xFFFF  }
0x184: {  	p0 =	sne.s32 s0, $0x0;
	s0 =	rddreg [dreg:$0x9]  }
0x185: {  	s0 =	sadd.s32 @!p0 $0x100000, s0  }
0x186: {  	[sflag:s0] =	ssyncadd.tile.s32 @!p0 $0x1;
	_ =	shalt  }
.Lfunc_end2:
_tile_overlayer_lowered:
.L_overlay_start_2:
0x187: {  	(tag) =	ssettag $0x2  }
0x188: {  	s0 =	rddreg [dreg:$0x0];
	s2 =	stileid.u32  }
0x189: {  	s1 =	rddreg [dreg:$0x1];
	p0 =	sne.s32 s2, $0x0  }
0x18a: {  	s3 =	rddreg [dreg:$0x2];
	[bflag:$0x3] =	sbarrier.arrive $0xFFFF;
	s2 =	simm.s32 @!p0 $0x1C06  }
0x18b: {  	[timem:s3], [sflag:s2] =	dma.local @!p0 [hbm:s0], s1  }
0x18c: {  	s0 =	simm.s32 @!p0 $0x6  }
0x18d: {  	_ =	swait.ge @!p0 [sflag:s0], s1  }
0x18e: {  	s1 =	ssub.s32 @!p0 $0x0, s1;
	[sflag:s0] =	ssyncset.done @!p0 $0x0  }
0x18f: {  	[sflag:s0] =	ssyncadd.s32 @!p0 s1  }
0x190: {  	[bflag:$0x3] =	sbarrier.arrive $0xFFFF  }
0x191: {  	_ =	shalt  }

</sc_bundles>
